<compile_context>
chip_gen: v7x
topology: tpu7x:2x2x1
jax: 0.10.2.dev20260603
libtpu: 0.0.44.dev20260713+nightly
codegen_flags: <defaults>
</compile_context>

<pallas_src>
import jax
import jax.numpy as jnp
from jax.experimental import pallas as pl
from jax.experimental.pallas import tpu as pltpu

_NB = 10
_C = 10
_N = 2_000_000
_W = 1280
_LW = _W // _C
_R = 1024
_CH = 8
_UNROLL = 8
_ITERS = _R // (_CH * _UNROLL)
_CUTS = (0, 999_936, _N)


def _make_partial(rows):
    nblk = -(-rows // _R)

    def _part_kernel(bins_ref, p_ref, l_ref, cnt, sm, ac, mt):
        pid = pl.program_id(0)
        k = pl.program_id(1)

        @pl.when(jnp.logical_and(pid == 0, k == 0))
        def _init():
            cnt[...] = jnp.zeros_like(cnt)
            sm[...] = jnp.zeros_like(sm)
            ac[...] = jnp.zeros_like(ac)

        @pl.when(k == 0)
        def _prep():
            lab = l_ref[...].astype(jnp.float32)
            u_iota = jax.lax.broadcasted_iota(jnp.int32, (_LW, _W), 0)
            j_grp = jax.lax.broadcasted_iota(jnp.int32, (_LW, _W), 1) // _C
            exp_mat = (u_iota == j_grp).astype(jnp.float32)
            l_w = jnp.dot(lab, exp_mat, preferred_element_type=jnp.float32)
            cls = (jax.lax.broadcasted_iota(jnp.int32, (_R, _W), 1)
                   % _C).astype(jnp.float32)
            mt[...] = (l_w == cls).astype(jnp.float32)

        e = bins_ref[0, k]
        limit = rows - pid * _R
        zed = jnp.zeros((_CH, _W), jnp.float32)
        row_iota = jax.lax.broadcasted_iota(jnp.int32, (_CH, _W), 0)

        def mk_body(masked):
            def body(i, carry):
                na, sa, aa = carry
                for t in range(_UNROLL):
                    base = (i * _UNROLL + t) * _CH
                    pc = p_ref[pl.ds(base, _CH), :]
                    mc = mt[pl.ds(base, _CH), :]
                    if masked:
                        pc = jnp.where(row_iota < limit - base, pc, 0.0)
                    gt = pc > e
                    na = na + jnp.where(gt, 1.0, 0.0)
                    sa = sa + jnp.where(gt, pc, 0.0)
                    aa = aa + jnp.where(gt, mc, 0.0)
                return na, sa, aa
            return body

        def run(masked):
            na, sa, aa = jax.lax.fori_loop(
                0, _ITERS, mk_body(masked), (zed, zed, zed))
            cnt[pl.ds(k, 1), :] += jnp.sum(na, axis=0, keepdims=True)
            sm[pl.ds(k, 1), :] += jnp.sum(sa, axis=0, keepdims=True)
            ac[pl.ds(k, 1), :] += jnp.sum(aa, axis=0, keepdims=True)

        is_last = pid == nblk - 1

        @pl.when(jnp.logical_not(is_last))
        def _fast():
            run(False)

        @pl.when(is_last)
        def _masked():
            run(True)

    def call(bins, pw, lw):
        shp = jax.ShapeDtypeStruct((_NB + 1, _W), jnp.float32)
        return pl.pallas_call(
            _part_kernel,
            grid=(nblk, _NB + 1),
            in_specs=[
                pl.BlockSpec(memory_space=pltpu.SMEM),
                pl.BlockSpec((_R, _W), lambda i, k: (i, 0)),
                pl.BlockSpec((_R, _LW), lambda i, k: (i, 0)),
            ],
            out_specs=[
                pl.BlockSpec((_NB + 1, _W), lambda i, k: (0, 0)),
                pl.BlockSpec((_NB + 1, _W), lambda i, k: (0, 0)),
                pl.BlockSpec((_NB + 1, _W), lambda i, k: (0, 0)),
            ],
            out_shape=[shp, shp, shp],
            scratch_shapes=[pltpu.VMEM((_R, _W), jnp.float32)],
            compiler_params=pltpu.CompilerParams(
                dimension_semantics=("arbitrary", "arbitrary"),
            ),
        )(bins, pw, lw)

    return call


def _fin_kernel(*refs):
    out_ref = refs[-1]
    parts = refs[:-1]
    cn = parts[0][...]
    sA = parts[1][...]
    aA = parts[2][...]
    for i in range(3, len(parts), 3):
        cn = cn + parts[i][...]
        sA = sA + parts[i + 1][...]
        aA = aA + parts[i + 2][...]
    n10 = cn[: _NB, :] - cn[1:, :]
    s10 = sA[: _NB, :] - sA[1:, :]
    a10 = aA[: _NB, :] - aA[1:, :]
    fc_j = jax.lax.broadcasted_iota(jnp.int32, (_W, 16), 0) % _C
    fc_c = jax.lax.broadcasted_iota(jnp.int32, (_W, 16), 1)
    foldc = (fc_j == fc_c).astype(jnp.float32)
    nf = jnp.dot(n10, foldc, preferred_element_type=jnp.float32)
    sf = jnp.dot(s10, foldc, preferred_element_type=jnp.float32)
    af = jnp.dot(a10, foldc, preferred_element_type=jnp.float32)
    nonempty = nf > 0
    safe_n = jnp.where(nonempty, nf, 1.0)
    d = sf - af
    term = jnp.where(nonempty, d * d / safe_n, 0.0)
    tot = jnp.sum(nf, axis=0, keepdims=True)
    cep = jnp.sum(term, axis=0, keepdims=True) / jnp.where(
        tot > 0, tot, 1.0)
    tot_cep = jnp.sum(cep, axis=1, keepdims=True)
    out_ref[...] = jnp.sqrt(tot_cep / _C)


def kernel(probas, labels):
    bins = jnp.linspace(0.0, 1.0, _NB + 1).reshape(1, _NB + 1)
    partials = []
    for lo, hi in zip(_CUTS, _CUTS[1:]):
        rows = (hi - lo) * _C // _W
        pw = probas[lo:hi].reshape(rows, _W)
        lw = labels[lo:hi].reshape(rows, _LW)
        partials.extend(_make_partial(rows)(bins, pw, lw))
    out = pl.pallas_call(
        _fin_kernel,
        out_shape=jax.ShapeDtypeStruct((1, 1), jnp.float32),
    )(*partials)
    return out.reshape(())

# --- scband reference (transcript-rebuilt; emitter-appended) ---
"""Pipeline reference for scband-marginal-calibration-error-46188078301368 (READ-ONLY COPY).

The authoritative reference and input builder live on the scoring server;
editing this copy changes nothing except your own understanding.
"""

import jax, jax.numpy as jnp
import numpy as np

N_BINS = 10
P = 2
N = 2000000
C = 10


def setup_inputs(seed: int = 0) -> dict:
    key = jax.random.key(seed)
    k1, k2 = jax.random.split(key)
    probas = jax.random.uniform(k1, (N, C), dtype=jnp.float32)
    labels = jax.random.randint(k2, (N,), 0, C, dtype=jnp.int32)
    return {"probas": probas, "labels": labels}


def reference(probas, labels):
    bins = jnp.linspace(0.0, 1.0, N_BINS + 1)
    sq_ces = []
    for i_cls in range(C):
        proba = probas[:, i_cls]
        label_bin = (labels == i_cls).astype(jnp.float32)
        # torch: in_bin = (bin_start < p) & (p <= bin_end)
        # digitize(right=True): bins[i-1] < x <= bins[i] -> bin index = digitize - 1
        idx = jnp.digitize(proba, bins, right=True) - 1
        # samples with p <= 0 fall in no bin (torch excludes them); route to
        # out-of-range segment so segment_sum drops them
        idx = jnp.where(idx < 0, N_BINS, idx)
        n_samples = jax.ops.segment_sum(jnp.ones_like(proba), idx, num_segments=N_BINS)
        sum_conf = jax.ops.segment_sum(proba, idx, num_segments=N_BINS)
        sum_acc = jax.ops.segment_sum(label_bin, idx, num_segments=N_BINS)
        nonempty = n_samples > 0
        denom = jnp.where(nonempty, n_samples, 1.0)
        mean_conf = jnp.where(nonempty, sum_conf / denom, jnp.nan)
        accs = jnp.where(nonempty, sum_acc / denom, jnp.nan)
        probas_bin = n_samples / jnp.nansum(n_samples)
        # ce = nansum(w * (conf-acc)^p)^(1/p); sq_ce = ce^p = nansum(...) (nonneg)
        ce_p = jnp.nansum(probas_bin * (mean_conf - accs) ** P)
        sq_ces.append(ce_p)
    mce = jnp.mean(jnp.stack(sq_ces)) ** (1.0 / P)
    return mce

if __name__ == "__main__":
    import jax
    _d = setup_inputs()
    print(jax.jit(kernel)(*tuple(_d.values())))

</pallas_src>

<mosaic_0001>
module attributes {stable_mosaic.version = 14 : i64} {
  func.func @_part_kernel(%arg0: i32, %arg1: i32, %arg2: memref<1x11xf32, #tpu.memory_space<smem>>, %arg3: memref<1024x1280xf32, #tpu.memory_space<vmem>>, %arg4: memref<1024x128xi32, #tpu.memory_space<vmem>>, %arg5: memref<11x1280xf32, #tpu.memory_space<vmem>>, %arg6: memref<11x1280xf32, #tpu.memory_space<vmem>>, %arg7: memref<11x1280xf32, #tpu.memory_space<vmem>>, %arg8: memref<1024x1280xf32, #tpu.memory_space<vmem>>) attributes {dimension_semantics = [#tpu.dimension_semantics<arbitrary>, #tpu.dimension_semantics<arbitrary>], iteration_bounds = array<i64: 8, 11>, scalar_prefetch = 0 : i64, scratch_operands = 1 : i64, tpu.core_type = #tpu.core_type<tc>, window_params = [{transform_indices = @transform_0, window_bounds = array<i64: 1, 11>}, {transform_indices = @transform_1, window_bounds = array<i64: 1024, 1280>}, {transform_indices = @transform_2, window_bounds = array<i64: 1024, 128>}, {pipeline_mode = #tpu.pipeline_mode<synchronous>, transform_indices = @transform_3, window_bounds = array<i64: 11, 1280>}, {pipeline_mode = #tpu.pipeline_mode<synchronous>, transform_indices = @transform_4, window_bounds = array<i64: 11, 1280>}, {pipeline_mode = #tpu.pipeline_mode<synchronous>, transform_indices = @transform_5, window_bounds = array<i64: 11, 1280>}]} {
    %eq3A = arith.constant 0 : i32
    %eq3A_0 = arith.cmpi eq, %arg0, %eq3A : i32
    %eq3A_1 = arith.constant 0 : i32
    %eq3A_2 = arith.cmpi eq, %arg1, %eq3A_1 : i32
    %and3A = arith.andi %eq3A_0, %eq3A_2 : i1
    %convert_element_type3A = arith.extui %and3A : i1 to i32
    %cond3A = arith.constant 0 : i32
    %cond3A_3 = arith.cmpi ne, %convert_element_type3A, %cond3A : i32
    scf.if %cond3A_3 {
      %broadcast_in_dim3A_23 = arith.constant 0.000000e+00 : f32
      %broadcast_in_dim3A_24 = vector.broadcast %broadcast_in_dim3A_23 : f32 to vector<11x1280xf32>
      %swap3A = arith.constant 0 : index
      %swap3A_25 = arith.constant 0 : index
      %swap3A_26 = vector.load %arg5[%swap3A, %swap3A_25] : memref<11x1280xf32, #tpu.memory_space<vmem>>, vector<11x1280xf32>
      tpu.vector_store %arg5[%swap3A, %swap3A_25], %broadcast_in_dim3A_24 {strides = array<i32>} : memref<11x1280xf32, #tpu.memory_space<vmem>>, vector<11x1280xf32>,
      %broadcast_in_dim3A_27 = arith.constant 0.000000e+00 : f32
      %broadcast_in_dim3A_28 = vector.broadcast %broadcast_in_dim3A_27 : f32 to vector<11x1280xf32>
      %swap3A_29 = arith.constant 0 : index
      %swap3A_30 = arith.constant 0 : index
      %swap3A_31 = vector.load %arg6[%swap3A_29, %swap3A_30] : memref<11x1280xf32, #tpu.memory_space<vmem>>, vector<11x1280xf32>
      tpu.vector_store %arg6[%swap3A_29, %swap3A_30], %broadcast_in_dim3A_28 {strides = array<i32>} : memref<11x1280xf32, #tpu.memory_space<vmem>>, vector<11x1280xf32>,
      %broadcast_in_dim3A_32 = arith.constant 0.000000e+00 : f32
      %broadcast_in_dim3A_33 = vector.broadcast %broadcast_in_dim3A_32 : f32 to vector<11x1280xf32>
      %swap3A_34 = arith.constant 0 : index
      %swap3A_35 = arith.constant 0 : index
      %swap3A_36 = vector.load %arg7[%swap3A_34, %swap3A_35] : memref<11x1280xf32, #tpu.memory_space<vmem>>, vector<11x1280xf32>
      tpu.vector_store %arg7[%swap3A_34, %swap3A_35], %broadcast_in_dim3A_33 {strides = array<i32>} : memref<11x1280xf32, #tpu.memory_space<vmem>>, vector<11x1280xf32>,
    } else {
    }
    %eq3A_4 = arith.constant 0 : i32
    %eq3A_5 = arith.cmpi eq, %arg1, %eq3A_4 : i32
    %convert_element_type3A_6 = arith.extui %eq3A_5 : i1 to i32
    %cond3A_7 = arith.constant 0 : i32
    %cond3A_8 = arith.cmpi ne, %convert_element_type3A_6, %cond3A_7 : i32
    scf.if %cond3A_8 {
      %get3A_23 = arith.constant 0 : index
      %get3A_24 = arith.constant 0 : index
      %get3A_25 = vector.load %arg4[%get3A_23, %get3A_24] : memref<1024x128xi32, #tpu.memory_space<vmem>>, vector<1024x128xi32>
      %convert_element_type3A_26 = arith.sitofp %get3A_25 : vector<1024x128xi32> to vector<1024x128xf32>
      %iota3A_27 = tpu.iota {dimensions = array<i32: 0>} : vector<128x1280xi32>
      %iota3A_28 = tpu.iota {dimensions = array<i32: 1>} : vector<128x1280xi32>
      %jit3A = arith.constant 10 : i32
      %div3A = vector.broadcast %jit3A : i32 to vector<128x1280xi32>
      %div3A_29 = arith.divsi %iota3A_28, %div3A : vector<128x1280xi32>
      %sign3A = arith.constant 0 : i32
      %sign3A_30 = vector.broadcast %sign3A : i32 to vector<128x1280xi32>
      %sign3A_31 = arith.cmpi sgt, %iota3A_28, %sign3A_30 : vector<128x1280xi32>
      %sign3A_32 = arith.extui %sign3A_31 : vector<128x1280xi1> to vector<128x1280xi32>
      %sign3A_33 = arith.constant 0 : i32
      %sign3A_34 = vector.broadcast %sign3A_33 : i32 to vector<128x1280xi32>
      %sign3A_35 = arith.cmpi slt, %iota3A_28, %sign3A_34 : vector<128x1280xi32>
      %sign3A_36 = arith.extui %sign3A_35 : vector<128x1280xi1> to vector<128x1280xi32>
      %sign3A_37 = arith.subi %sign3A_32, %sign3A_36 : vector<128x1280xi32>
      %sign3A_38 = arith.constant 0 : i32
      %sign3A_39 = arith.cmpi sgt, %jit3A, %sign3A_38 : i32
      %sign3A_40 = arith.extui %sign3A_39 : i1 to i32
      %sign3A_41 = arith.constant 0 : i32
      %sign3A_42 = arith.cmpi slt, %jit3A, %sign3A_41 : i32
      %sign3A_43 = arith.extui %sign3A_42 : i1 to i32
      %sign3A_44 = arith.subi %sign3A_40, %sign3A_43 : i32
      %ne3A = vector.broadcast %sign3A_44 : i32 to vector<128x1280xi32>
      %ne3A_45 = arith.cmpi ne, %sign3A_37, %ne3A : vector<128x1280xi32>
      %rem3A = vector.broadcast %jit3A : i32 to vector<128x1280xi32>
      %rem3A_46 = arith.remsi %iota3A_28, %rem3A : vector<128x1280xi32>
      %ne3A_47 = arith.constant 0 : i32
      %ne3A_48 = vector.broadcast %ne3A_47 : i32 to vector<128x1280xi32>
      %ne3A_49 = arith.cmpi ne, %rem3A_46, %ne3A_48 : vector<128x1280xi32>
      %and3A_50 = arith.andi %ne3A_45, %ne3A_49 : vector<128x1280xi1>
      %sub3A_51 = arith.constant 1 : i32
      %sub3A_52 = vector.broadcast %sub3A_51 : i32 to vector<128x1280xi32>
      %sub3A_53 = arith.subi %div3A_29, %sub3A_52 : vector<128x1280xi32>
      %select_n3A = arith.select %and3A_50, %sub3A_53, %div3A_29 : vector<128x1280xi1>, vector<128x1280xi32>
      %eq3A_54 = arith.cmpi eq, %iota3A_27, %select_n3A : vector<128x1280xi32>
      %convert_element_type3A_55 = arith.extui %eq3A_54 : vector<128x1280xi1> to vector<128x1280xi32>
      %convert_element_type3A_56 = arith.sitofp %convert_element_type3A_55 : vector<128x1280xi32> to vector<128x1280xf32>
      %dot_general3A = arith.constant dense<0.000000e+00> : vector<1024x1280xf32>
      %dot_general3A_57 = tpu.matmul %convert_element_type3A_26, %convert_element_type3A_56, %dot_general3A {dimension_numbers = #tpu.dot_dimension_numbers<[1], [0], [0], [1], [0, 0, 1, 1], [], []>, transpose_lhs_hint = false} : vector<1024x128xf32>, vector<128x1280xf32>, vector<1024x1280xf32> -> vector<1024x1280xf32>
      %iota3A_58 = tpu.iota {dimensions = array<i32: 1>} : vector<1024x1280xi32>
      %jit3A_59 = arith.constant 10 : i32
      %eq3A_60 = arith.constant 0 : i32
      %eq3A_61 = arith.cmpi eq, %jit3A_59, %eq3A_60 : i32
      %jit3A_62 = arith.constant 1 : i32
      %select_n3A_63 = arith.select %eq3A_61, %jit3A_62, %jit3A_59 : i32
      %rem3A_64 = vector.broadcast %select_n3A_63 : i32 to vector<1024x1280xi32>
      %rem3A_65 = arith.remsi %iota3A_58, %rem3A_64 : vector<1024x1280xi32>
      %ne3A_66 = arith.constant 0 : i32
      %ne3A_67 = vector.broadcast %ne3A_66 : i32 to vector<1024x1280xi32>
      %ne3A_68 = arith.cmpi ne, %rem3A_65, %ne3A_67 : vector<1024x1280xi32>
      %lt3A = arith.constant 0 : i32
      %lt3A_69 = vector.broadcast %lt3A : i32 to vector<1024x1280xi32>
      %lt3A_70 = arith.cmpi slt, %rem3A_65, %lt3A_69 : vector<1024x1280xi32>
      %lt3A_71 = arith.constant 0 : i32
      %lt3A_72 = arith.cmpi slt, %select_n3A_63, %lt3A_71 : i32
      %ne3A_73 = vector.broadcast %lt3A_72 : i1 to vector<1024x1280xi1>
      %ne3A_74 = vector.broadcast %ne3A_73 : vector<1024x1280xi1> to vector<1024x1280xi1>
      %ne3A_75 = arith.xori %lt3A_70, %ne3A_74 : vector<1024x1280xi1>
      %and3A_76 = arith.andi %ne3A_75, %ne3A_68 : vector<1024x1280xi1>
      %add3A = vector.broadcast %select_n3A_63 : i32 to vector<1024x1280xi32>
      %add3A_77 = arith.addi %rem3A_65, %add3A : vector<1024x1280xi32>
      %select_n3A_78 = arith.select %and3A_76, %add3A_77, %rem3A_65 : vector<1024x1280xi1>, vector<1024x1280xi32>
      %convert_element_type3A_79 = arith.sitofp %select_n3A_78 : vector<1024x1280xi32> to vector<1024x1280xf32>
      %eq3A_80 = arith.cmpf oeq, %dot_general3A_57, %convert_element_type3A_79 : vector<1024x1280xf32>
      %convert_element_type3A_81 = arith.extui %eq3A_80 : vector<1024x1280xi1> to vector<1024x1280xi32>
      %convert_element_type3A_82 = arith.sitofp %convert_element_type3A_81 : vector<1024x1280xi32> to vector<1024x1280xf32>
      %swap3A = arith.constant 0 : index
      %swap3A_83 = arith.constant 0 : index
      %swap3A_84 = vector.load %arg8[%swap3A, %swap3A_83] : memref<1024x1280xf32, #tpu.memory_space<vmem>>, vector<1024x1280xf32>
      tpu.vector_store %arg8[%swap3A, %swap3A_83], %convert_element_type3A_82 {strides = array<i32>} : memref<1024x1280xf32, #tpu.memory_space<vmem>>, vector<1024x1280xf32>,
    } else {
    }
    %get3A = arith.constant 0 : index
    %get3A_9 = arith.index_cast %arg1 : i32 to index
    %get3A_10 = memref.load %arg2[%get3A, %get3A_9] : memref<1x11xf32, #tpu.memory_space<smem>>
    %mul3A = arith.constant 1024 : i32
    %mul3A_11 = arith.muli %arg0, %mul3A : i32
    %sub3A = arith.constant 7812 : i32
    %sub3A_12 = arith.subi %sub3A, %mul3A_11 : i32
    %broadcast_in_dim3A = arith.constant 0.000000e+00 : f32
    %broadcast_in_dim3A_13 = vector.broadcast %broadcast_in_dim3A : f32 to vector<8x1280xf32>
    %iota3A = tpu.iota {dimensions = array<i32: 0>} : vector<8x1280xi32>
    %eq3A_14 = arith.constant 7 : i32
    %eq3A_15 = arith.cmpi eq, %arg0, %eq3A_14 : i32
    %not3A = arith.constant true
    %not3A_16 = arith.xori %eq3A_15, %not3A : i1
    %convert_element_type3A_17 = arith.extui %not3A_16 : i1 to i32
    %cond3A_18 = arith.constant 0 : i32
    %cond3A_19 = arith.cmpi ne, %convert_element_type3A_17, %cond3A_18 : i32
    scf.if %cond3A_19 {
      %scan3A = arith.constant 0 : i32
      %scan3A_23 = arith.constant 16 : i32
      %scan3A_24 = arith.addi %scan3A, %scan3A_23 : i32
      %scan3A_25 = arith.constant 1 : i32
      %scan3A_26:3 = scf.for %scan3A_55 = %scan3A to %scan3A_24 step %scan3A_25 iter_args(%scan3A_56 = %broadcast_in_dim3A_13, %scan3A_57 = %broadcast_in_dim3A_13, %scan3A_58 = %broadcast_in_dim3A_13) -> (vector<8x1280xf32>, vector<8x1280xf32>, vector<8x1280xf32>)  : i32 {
        %mul3A_59 = arith.constant 8 : i32
        %mul3A_60 = arith.muli %scan3A_55, %mul3A_59 : i32
        %add3A_61 = arith.constant 0 : i32
        %add3A_62 = arith.addi %mul3A_60, %add3A_61 : i32
        %mul3A_63 = arith.constant 8 : i32
        %mul3A_64 = arith.muli %add3A_62, %mul3A_63 : i32
        %get3A_65 = arith.index_cast %mul3A_64 : i32 to index
        %get3A_66 = arith.constant 0 : index
        %get3A_67 = vector.load %arg3[%get3A_65, %get3A_66] : memref<1024x1280xf32, #tpu.memory_space<vmem>>, vector<8x1280xf32>
        %get3A_68 = arith.index_cast %mul3A_64 : i32 to index
        %get3A_69 = arith.constant 0 : index
        %get3A_70 = vector.load %arg8[%get3A_68, %get3A_69] : memref<1024x1280xf32, #tpu.memory_space<vmem>>, vector<8x1280xf32>
        %gt3A = vector.broadcast %get3A_10 : f32 to vector<8x1280xf32>
        %gt3A_71 = arith.cmpf ogt, %get3A_67, %gt3A : vector<8x1280xf32>
        %jit3A = arith.constant 1.000000e+00 : f32
        %jit3A_72 = arith.constant 0.000000e+00 : f32
        %broadcast_in_dim3A_73 = vector.broadcast %jit3A : f32 to vector<8x1280xf32>
        %broadcast_in_dim3A_74 = vector.broadcast %jit3A_72 : f32 to vector<8x1280xf32>
        %select_n3A = arith.select %gt3A_71, %broadcast_in_dim3A_73, %broadcast_in_dim3A_74 : vector<8x1280xi1>, vector<8x1280xf32>
        %add3A_75 = arith.addf %scan3A_56, %select_n3A : vector<8x1280xf32>
        %jit3A_76 = arith.constant 0.000000e+00 : f32
        %broadcast_in_dim3A_77 = vector.broadcast %jit3A_76 : f32 to vector<8x1280xf32>
        %select_n3A_78 = arith.select %gt3A_71, %get3A_67, %broadcast_in_dim3A_77 : vector<8x1280xi1>, vector<8x1280xf32>
        %add3A_79 = arith.addf %scan3A_57, %select_n3A_78 : vector<8x1280xf32>
        %jit3A_80 = arith.constant 0.000000e+00 : f32
        %broadcast_in_dim3A_81 = vector.broadcast %jit3A_80 : f32 to vector<8x1280xf32>
        %select_n3A_82 = arith.select %gt3A_71, %get3A_70, %broadcast_in_dim3A_81 : vector<8x1280xi1>, vector<8x1280xf32>
        %add3A_83 = arith.addf %scan3A_58, %select_n3A_82 : vector<8x1280xf32>
        %mul3A_84 = arith.constant 8 : i32
        %mul3A_85 = arith.muli %scan3A_55, %mul3A_84 : i32
        %add3A_86 = arith.constant 1 : i32
        %add3A_87 = arith.addi %mul3A_85, %add3A_86 : i32
        %mul3A_88 = arith.constant 8 : i32
        %mul3A_89 = arith.muli %add3A_87, %mul3A_88 : i32
        %get3A_90 = arith.index_cast %mul3A_89 : i32 to index
        %get3A_91 = arith.constant 0 : index
        %get3A_92 = vector.load %arg3[%get3A_90, %get3A_91] : memref<1024x1280xf32, #tpu.memory_space<vmem>>, vector<8x1280xf32>
        %get3A_93 = arith.index_cast %mul3A_89 : i32 to index
        %get3A_94 = arith.constant 0 : index
        %get3A_95 = vector.load %arg8[%get3A_93, %get3A_94] : memref<1024x1280xf32, #tpu.memory_space<vmem>>, vector<8x1280xf32>
        %gt3A_96 = vector.broadcast %get3A_10 : f32 to vector<8x1280xf32>
        %gt3A_97 = arith.cmpf ogt, %get3A_92, %gt3A_96 : vector<8x1280xf32>
        %jit3A_98 = arith.constant 1.000000e+00 : f32
        %jit3A_99 = arith.constant 0.000000e+00 : f32
        %broadcast_in_dim3A_100 = vector.broadcast %jit3A_98 : f32 to vector<8x1280xf32>
        %broadcast_in_dim3A_101 = vector.broadcast %jit3A_99 : f32 to vector<8x1280xf32>
        %select_n3A_102 = arith.select %gt3A_97, %broadcast_in_dim3A_100, %broadcast_in_dim3A_101 : vector<8x1280xi1>, vector<8x1280xf32>
        %add3A_103 = arith.addf %add3A_75, %select_n3A_102 : vector<8x1280xf32>
        %jit3A_104 = arith.constant 0.000000e+00 : f32
        %broadcast_in_dim3A_105 = vector.broadcast %jit3A_104 : f32 to vector<8x1280xf32>
        %select_n3A_106 = arith.select %gt3A_97, %get3A_92, %broadcast_in_dim3A_105 : vector<8x1280xi1>, vector<8x1280xf32>
        %add3A_107 = arith.addf %add3A_79, %select_n3A_106 : vector<8x1280xf32>
        %jit3A_108 = arith.constant 0.000000e+00 : f32
        %broadcast_in_dim3A_109 = vector.broadcast %jit3A_108 : f32 to vector<8x1280xf32>
        %select_n3A_110 = arith.select %gt3A_97, %get3A_95, %broadcast_in_dim3A_109 : vector<8x1280xi1>, vector<8x1280xf32>
        %add3A_111 = arith.addf %add3A_83, %select_n3A_110 : vector<8x1280xf32>
        %mul3A_112 = arith.constant 8 : i32
        %mul3A_113 = arith.muli %scan3A_55, %mul3A_112 : i32
        %add3A_114 = arith.constant 2 : i32
        %add3A_115 = arith.addi %mul3A_113, %add3A_114 : i32
        %mul3A_116 = arith.constant 8 : i32
        %mul3A_117 = arith.muli %add3A_115, %mul3A_116 : i32
        %get3A_118 = arith.index_cast %mul3A_117 : i32 to index
        %get3A_119 = arith.constant 0 : index
        %get3A_120 = vector.load %arg3[%get3A_118, %get3A_119] : memref<1024x1280xf32, #tpu.memory_space<vmem>>, vector<8x1280xf32>
        %get3A_121 = arith.index_cast %mul3A_117 : i32 to index
        %get3A_122 = arith.constant 0 : index
        %get3A_123 = vector.load %arg8[%get3A_121, %get3A_122] : memref<1024x1280xf32, #tpu.memory_space<vmem>>, vector<8x1280xf32>
        %gt3A_124 = vector.broadcast %get3A_10 : f32 to vector<8x1280xf32>
        %gt3A_125 = arith.cmpf ogt, %get3A_120, %gt3A_124 : vector<8x1280xf32>
        %jit3A_126 = arith.constant 1.000000e+00 : f32
        %jit3A_127 = arith.constant 0.000000e+00 : f32
        %broadcast_in_dim3A_128 = vector.broadcast %jit3A_126 : f32 to vector<8x1280xf32>
        %broadcast_in_dim3A_129 = vector.broadcast %jit3A_127 : f32 to vector<8x1280xf32>
        %select_n3A_130 = arith.select %gt3A_125, %broadcast_in_dim3A_128, %broadcast_in_dim3A_129 : vector<8x1280xi1>, vector<8x1280xf32>
        %add3A_131 = arith.addf %add3A_103, %select_n3A_130 : vector<8x1280xf32>
        %jit3A_132 = arith.constant 0.000000e+00 : f32
        %broadcast_in_dim3A_133 = vector.broadcast %jit3A_132 : f32 to vector<8x1280xf32>
        %select_n3A_134 = arith.select %gt3A_125, %get3A_120, %broadcast_in_dim3A_133 : vector<8x1280xi1>, vector<8x1280xf32>
        %add3A_135 = arith.addf %add3A_107, %select_n3A_134 : vector<8x1280xf32>
        %jit3A_136 = arith.constant 0.000000e+00 : f32
        %broadcast_in_dim3A_137 = vector.broadcast %jit3A_136 : f32 to vector<8x1280xf32>
        %select_n3A_138 = arith.select %gt3A_125, %get3A_123, %broadcast_in_dim3A_137 : vector<8x1280xi1>, vector<8x1280xf32>
        %add3A_139 = arith.addf %add3A_111, %select_n3A_138 : vector<8x1280xf32>
        %mul3A_140 = arith.constant 8 : i32
        %mul3A_141 = arith.muli %scan3A_55, %mul3A_140 : i32
        %add3A_142 = arith.constant 3 : i32
        %add3A_143 = arith.addi %mul3A_141, %add3A_142 : i32
        %mul3A_144 = arith.constant 8 : i32
        %mul3A_145 = arith.muli %add3A_143, %mul3A_144 : i32
        %get3A_146 = arith.index_cast %mul3A_145 : i32 to index
        %get3A_147 = arith.constant 0 : index
        %get3A_148 = vector.load %arg3[%get3A_146, %get3A_147] : memref<1024x1280xf32, #tpu.memory_space<vmem>>, vector<8x1280xf32>
        %get3A_149 = arith.index_cast %mul3A_145 : i32 to index
        %get3A_150 = arith.constant 0 : index
        %get3A_151 = vector.load %arg8[%get3A_149, %get3A_150] : memref<1024x1280xf32, #tpu.memory_space<vmem>>, vector<8x1280xf32>
        %gt3A_152 = vector.broadcast %get3A_10 : f32 to vector<8x1280xf32>
        %gt3A_153 = arith.cmpf ogt, %get3A_148, %gt3A_152 : vector<8x1280xf32>
        %jit3A_154 = arith.constant 1.000000e+00 : f32
        %jit3A_155 = arith.constant 0.000000e+00 : f32
        %broadcast_in_dim3A_156 = vector.broadcast %jit3A_154 : f32 to vector<8x1280xf32>
        %broadcast_in_dim3A_157 = vector.broadcast %jit3A_155 : f32 to vector<8x1280xf32>
        %select_n3A_158 = arith.select %gt3A_153, %broadcast_in_dim3A_156, %broadcast_in_dim3A_157 : vector<8x1280xi1>, vector<8x1280xf32>
        %add3A_159 = arith.addf %add3A_131, %select_n3A_158 : vector<8x1280xf32>
        %jit3A_160 = arith.constant 0.000000e+00 : f32
        %broadcast_in_dim3A_161 = vector.broadcast %jit3A_160 : f32 to vector<8x1280xf32>
        %select_n3A_162 = arith.select %gt3A_153, %get3A_148, %broadcast_in_dim3A_161 : vector<8x1280xi1>, vector<8x1280xf32>
        %add3A_163 = arith.addf %add3A_135, %select_n3A_162 : vector<8x1280xf32>
        %jit3A_164 = arith.constant 0.000000e+00 : f32
        %broadcast_in_dim3A_165 = vector.broadcast %jit3A_164 : f32 to vector<8x1280xf32>
        %select_n3A_166 = arith.select %gt3A_153, %get3A_151, %broadcast_in_dim3A_165 : vector<8x1280xi1>, vector<8x1280xf32>
        %add3A_167 = arith.addf %add3A_139, %select_n3A_166 : vector<8x1280xf32>
        %mul3A_168 = arith.constant 8 : i32
        %mul3A_169 = arith.muli %scan3A_55, %mul3A_168 : i32
        %add3A_170 = arith.constant 4 : i32
        %add3A_171 = arith.addi %mul3A_169, %add3A_170 : i32
        %mul3A_172 = arith.constant 8 : i32
        %mul3A_173 = arith.muli %add3A_171, %mul3A_172 : i32
        %get3A_174 = arith.index_cast %mul3A_173 : i32 to index
        %get3A_175 = arith.constant 0 : index
        %get3A_176 = vector.load %arg3[%get3A_174, %get3A_175] : memref<1024x1280xf32, #tpu.memory_space<vmem>>, vector<8x1280xf32>
        %get3A_177 = arith.index_cast %mul3A_173 : i32 to index
        %get3A_178 = arith.constant 0 : index
        %get3A_179 = vector.load %arg8[%get3A_177, %get3A_178] : memref<1024x1280xf32, #tpu.memory_space<vmem>>, vector<8x1280xf32>
        %gt3A_180 = vector.broadcast %get3A_10 : f32 to vector<8x1280xf32>
        %gt3A_181 = arith.cmpf ogt, %get3A_176, %gt3A_180 : vector<8x1280xf32>
        %jit3A_182 = arith.constant 1.000000e+00 : f32
        %jit3A_183 = arith.constant 0.000000e+00 : f32
        %broadcast_in_dim3A_184 = vector.broadcast %jit3A_182 : f32 to vector<8x1280xf32>
        %broadcast_in_dim3A_185 = vector.broadcast %jit3A_183 : f32 to vector<8x1280xf32>
        %select_n3A_186 = arith.select %gt3A_181, %broadcast_in_dim3A_184, %broadcast_in_dim3A_185 : vector<8x1280xi1>, vector<8x1280xf32>
        %add3A_187 = arith.addf %add3A_159, %select_n3A_186 : vector<8x1280xf32>
        %jit3A_188 = arith.constant 0.000000e+00 : f32
        %broadcast_in_dim3A_189 = vector.broadcast %jit3A_188 : f32 to vector<8x1280xf32>
        %select_n3A_190 = arith.select %gt3A_181, %get3A_176, %broadcast_in_dim3A_189 : vector<8x1280xi1>, vector<8x1280xf32>
        %add3A_191 = arith.addf %add3A_163, %select_n3A_190 : vector<8x1280xf32>
        %jit3A_192 = arith.constant 0.000000e+00 : f32
        %broadcast_in_dim3A_193 = vector.broadcast %jit3A_192 : f32 to vector<8x1280xf32>
        %select_n3A_194 = arith.select %gt3A_181, %get3A_179, %broadcast_in_dim3A_193 : vector<8x1280xi1>, vector<8x1280xf32>
        %add3A_195 = arith.addf %add3A_167, %select_n3A_194 : vector<8x1280xf32>
        %mul3A_196 = arith.constant 8 : i32
        %mul3A_197 = arith.muli %scan3A_55, %mul3A_196 : i32
        %add3A_198 = arith.constant 5 : i32
        %add3A_199 = arith.addi %mul3A_197, %add3A_198 : i32
        %mul3A_200 = arith.constant 8 : i32
        %mul3A_201 = arith.muli %add3A_199, %mul3A_200 : i32
        %get3A_202 = arith.index_cast %mul3A_201 : i32 to index
        %get3A_203 = arith.constant 0 : index
        %get3A_204 = vector.load %arg3[%get3A_202, %get3A_203] : memref<1024x1280xf32, #tpu.memory_space<vmem>>, vector<8x1280xf32>
        %get3A_205 = arith.index_cast %mul3A_201 : i32 to index
        %get3A_206 = arith.constant 0 : index
        %get3A_207 = vector.load %arg8[%get3A_205, %get3A_206] : memref<1024x1280xf32, #tpu.memory_space<vmem>>, vector<8x1280xf32>
        %gt3A_208 = vector.broadcast %get3A_10 : f32 to vector<8x1280xf32>
        %gt3A_209 = arith.cmpf ogt, %get3A_204, %gt3A_208 : vector<8x1280xf32>
        %jit3A_210 = arith.constant 1.000000e+00 : f32
        %jit3A_211 = arith.constant 0.000000e+00 : f32
        %broadcast_in_dim3A_212 = vector.broadcast %jit3A_210 : f32 to vector<8x1280xf32>
        %broadcast_in_dim3A_213 = vector.broadcast %jit3A_211 : f32 to vector<8x1280xf32>
        %select_n3A_214 = arith.select %gt3A_209, %broadcast_in_dim3A_212, %broadcast_in_dim3A_213 : vector<8x1280xi1>, vector<8x1280xf32>
        %add3A_215 = arith.addf %add3A_187, %select_n3A_214 : vector<8x1280xf32>
        %jit3A_216 = arith.constant 0.000000e+00 : f32
        %broadcast_in_dim3A_217 = vector.broadcast %jit3A_216 : f32 to vector<8x1280xf32>
        %select_n3A_218 = arith.select %gt3A_209, %get3A_204, %broadcast_in_dim3A_217 : vector<8x1280xi1>, vector<8x1280xf32>
        %add3A_219 = arith.addf %add3A_191, %select_n3A_218 : vector<8x1280xf32>
        %jit3A_220 = arith.constant 0.000000e+00 : f32
        %broadcast_in_dim3A_221 = vector.broadcast %jit3A_220 : f32 to vector<8x1280xf32>
        %select_n3A_222 = arith.select %gt3A_209, %get3A_207, %broadcast_in_dim3A_221 : vector<8x1280xi1>, vector<8x1280xf32>
        %add3A_223 = arith.addf %add3A_195, %select_n3A_222 : vector<8x1280xf32>
        %mul3A_224 = arith.constant 8 : i32
        %mul3A_225 = arith.muli %scan3A_55, %mul3A_224 : i32
        %add3A_226 = arith.constant 6 : i32
        %add3A_227 = arith.addi %mul3A_225, %add3A_226 : i32
        %mul3A_228 = arith.constant 8 : i32
        %mul3A_229 = arith.muli %add3A_227, %mul3A_228 : i32
        %get3A_230 = arith.index_cast %mul3A_229 : i32 to index
        %get3A_231 = arith.constant 0 : index
        %get3A_232 = vector.load %arg3[%get3A_230, %get3A_231] : memref<1024x1280xf32, #tpu.memory_space<vmem>>, vector<8x1280xf32>
        %get3A_233 = arith.index_cast %mul3A_229 : i32 to index
        %get3A_234 = arith.constant 0 : index
        %get3A_235 = vector.load %arg8[%get3A_233, %get3A_234] : memref<1024x1280xf32, #tpu.memory_space<vmem>>, vector<8x1280xf32>
        %gt3A_236 = vector.broadcast %get3A_10 : f32 to vector<8x1280xf32>
        %gt3A_237 = arith.cmpf ogt, %get3A_232, %gt3A_236 : vector<8x1280xf32>
        %jit3A_238 = arith.constant 1.000000e+00 : f32
        %jit3A_239 = arith.constant 0.000000e+00 : f32
        %broadcast_in_dim3A_240 = vector.broadcast %jit3A_238 : f32 to vector<8x1280xf32>
        %broadcast_in_dim3A_241 = vector.broadcast %jit3A_239 : f32 to vector<8x1280xf32>
        %select_n3A_242 = arith.select %gt3A_237, %broadcast_in_dim3A_240, %broadcast_in_dim3A_241 : vector<8x1280xi1>, vector<8x1280xf32>
        %add3A_243 = arith.addf %add3A_215, %select_n3A_242 : vector<8x1280xf32>
        %jit3A_244 = arith.constant 0.000000e+00 : f32
        %broadcast_in_dim3A_245 = vector.broadcast %jit3A_244 : f32 to vector<8x1280xf32>
        %select_n3A_246 = arith.select %gt3A_237, %get3A_232, %broadcast_in_dim3A_245 : vector<8x1280xi1>, vector<8x1280xf32>
        %add3A_247 = arith.addf %add3A_219, %select_n3A_246 : vector<8x1280xf32>
        %jit3A_248 = arith.constant 0.000000e+00 : f32
        %broadcast_in_dim3A_249 = vector.broadcast %jit3A_248 : f32 to vector<8x1280xf32>
        %select_n3A_250 = arith.select %gt3A_237, %get3A_235, %broadcast_in_dim3A_249 : vector<8x1280xi1>, vector<8x1280xf32>
        %add3A_251 = arith.addf %add3A_223, %select_n3A_250 : vector<8x1280xf32>
        %mul3A_252 = arith.constant 8 : i32
        %mul3A_253 = arith.muli %scan3A_55, %mul3A_252 : i32
        %add3A_254 = arith.constant 7 : i32
        %add3A_255 = arith.addi %mul3A_253, %add3A_254 : i32
        %mul3A_256 = arith.constant 8 : i32
        %mul3A_257 = arith.muli %add3A_255, %mul3A_256 : i32
        %get3A_258 = arith.index_cast %mul3A_257 : i32 to index
        %get3A_259 = arith.constant 0 : index
        %get3A_260 = vector.load %arg3[%get3A_258, %get3A_259] : memref<1024x1280xf32, #tpu.memory_space<vmem>>, vector<8x1280xf32>
        %get3A_261 = arith.index_cast %mul3A_257 : i32 to index
        %get3A_262 = arith.constant 0 : index
        %get3A_263 = vector.load %arg8[%get3A_261, %get3A_262] : memref<1024x1280xf32, #tpu.memory_space<vmem>>, vector<8x1280xf32>
        %gt3A_264 = vector.broadcast %get3A_10 : f32 to vector<8x1280xf32>
        %gt3A_265 = arith.cmpf ogt, %get3A_260, %gt3A_264 : vector<8x1280xf32>
        %jit3A_266 = arith.constant 1.000000e+00 : f32
        %jit3A_267 = arith.constant 0.000000e+00 : f32
        %broadcast_in_dim3A_268 = vector.broadcast %jit3A_266 : f32 to vector<8x1280xf32>
        %broadcast_in_dim3A_269 = vector.broadcast %jit3A_267 : f32 to vector<8x1280xf32>
        %select_n3A_270 = arith.select %gt3A_265, %broadcast_in_dim3A_268, %broadcast_in_dim3A_269 : vector<8x1280xi1>, vector<8x1280xf32>
        %add3A_271 = arith.addf %add3A_243, %select_n3A_270 : vector<8x1280xf32>
        %jit3A_272 = arith.constant 0.000000e+00 : f32
        %broadcast_in_dim3A_273 = vector.broadcast %jit3A_272 : f32 to vector<8x1280xf32>
        %select_n3A_274 = arith.select %gt3A_265, %get3A_260, %broadcast_in_dim3A_273 : vector<8x1280xi1>, vector<8x1280xf32>
        %add3A_275 = arith.addf %add3A_247, %select_n3A_274 : vector<8x1280xf32>
        %jit3A_276 = arith.constant 0.000000e+00 : f32
        %broadcast_in_dim3A_277 = vector.broadcast %jit3A_276 : f32 to vector<8x1280xf32>
        %select_n3A_278 = arith.select %gt3A_265, %get3A_263, %broadcast_in_dim3A_277 : vector<8x1280xi1>, vector<8x1280xf32>
        %add3A_279 = arith.addf %add3A_251, %select_n3A_278 : vector<8x1280xf32>
        scf.yield %add3A_271, %add3A_275, %add3A_279 : vector<8x1280xf32>, vector<8x1280xf32>, vector<8x1280xf32>
      }
      %scan3A_27 = arith.constant 16 : i32
      %get3A_28 = arith.index_cast %arg1 : i32 to index
      %get3A_29 = arith.constant 0 : index
      %get3A_30 = vector.load %arg5[%get3A_28, %get3A_29] : memref<11x1280xf32, #tpu.memory_space<vmem>>, vector<1x1280xf32>
      %reduce_sum3A = arith.constant dense<0.000000e+00> : vector<1280xf32>
      %reduce_sum3A_31 = vector.multi_reduction <add>, %scan3A_26#0, %reduce_sum3A [0] : vector<8x1280xf32> to vector<1280xf32>
      %broadcast_in_dim3A_32 = vector.shape_cast %reduce_sum3A_31 : vector<1280xf32> to vector<1x1280xf32>
      %add3A = arith.addf %get3A_30, %broadcast_in_dim3A_32 : vector<1x1280xf32>
      %swap3A = arith.index_cast %arg1 : i32 to index
      %swap3A_33 = arith.constant 0 : index
      %swap3A_34 = vector.load %arg5[%swap3A, %swap3A_33] : memref<11x1280xf32, #tpu.memory_space<vmem>>, vector<1x1280xf32>
      tpu.vector_store %arg5[%swap3A, %swap3A_33], %add3A {strides = array<i32>} : memref<11x1280xf32, #tpu.memory_space<vmem>>, vector<1x1280xf32>,
      %get3A_35 = arith.index_cast %arg1 : i32 to index
      %get3A_36 = arith.constant 0 : index
      %get3A_37 = vector.load %arg6[%get3A_35, %get3A_36] : memref<11x1280xf32, #tpu.memory_space<vmem>>, vector<1x1280xf32>
      %reduce_sum3A_38 = arith.constant dense<0.000000e+00> : vector<1280xf32>
      %reduce_sum3A_39 = vector.multi_reduction <add>, %scan3A_26#1, %reduce_sum3A_38 [0] : vector<8x1280xf32> to vector<1280xf32>
      %broadcast_in_dim3A_40 = vector.shape_cast %reduce_sum3A_39 : vector<1280xf32> to vector<1x1280xf32>
      %add3A_41 = arith.addf %get3A_37, %broadcast_in_dim3A_40 : vector<1x1280xf32>
      %swap3A_42 = arith.index_cast %arg1 : i32 to index
      %swap3A_43 = arith.constant 0 : index
      %swap3A_44 = vector.load %arg6[%swap3A_42, %swap3A_43] : memref<11x1280xf32, #tpu.memory_space<vmem>>, vector<1x1280xf32>
      tpu.vector_store %arg6[%swap3A_42, %swap3A_43], %add3A_41 {strides = array<i32>} : memref<11x1280xf32, #tpu.memory_space<vmem>>, vector<1x1280xf32>,
      %get3A_45 = arith.index_cast %arg1 : i32 to index
      %get3A_46 = arith.constant 0 : index
      %get3A_47 = vector.load %arg7[%get3A_45, %get3A_46] : memref<11x1280xf32, #tpu.memory_space<vmem>>, vector<1x1280xf32>
      %reduce_sum3A_48 = arith.constant dense<0.000000e+00> : vector<1280xf32>
      %reduce_sum3A_49 = vector.multi_reduction <add>, %scan3A_26#2, %reduce_sum3A_48 [0] : vector<8x1280xf32> to vector<1280xf32>
      %broadcast_in_dim3A_50 = vector.shape_cast %reduce_sum3A_49 : vector<1280xf32> to vector<1x1280xf32>
      %add3A_51 = arith.addf %get3A_47, %broadcast_in_dim3A_50 : vector<1x1280xf32>
      %swap3A_52 = arith.index_cast %arg1 : i32 to index
      %swap3A_53 = arith.constant 0 : index
      %swap3A_54 = vector.load %arg7[%swap3A_52, %swap3A_53] : memref<11x1280xf32, #tpu.memory_space<vmem>>, vector<1x1280xf32>
      tpu.vector_store %arg7[%swap3A_52, %swap3A_53], %add3A_51 {strides = array<i32>} : memref<11x1280xf32, #tpu.memory_space<vmem>>, vector<1x1280xf32>,
    } else {
    }
    %convert_element_type3A_20 = arith.extui %eq3A_15 : i1 to i32
    %cond3A_21 = arith.constant 0 : i32
    %cond3A_22 = arith.cmpi ne, %convert_element_type3A_20, %cond3A_21 : i32
    scf.if %cond3A_22 {
      %scan3A = arith.constant 0 : i32
      %scan3A_23 = arith.constant 16 : i32
      %scan3A_24 = arith.addi %scan3A, %scan3A_23 : i32
      %scan3A_25 = arith.constant 1 : i32
      %scan3A_26:3 = scf.for %scan3A_55 = %scan3A to %scan3A_24 step %scan3A_25 iter_args(%scan3A_56 = %broadcast_in_dim3A_13, %scan3A_57 = %broadcast_in_dim3A_13, %scan3A_58 = %broadcast_in_dim3A_13) -> (vector<8x1280xf32>, vector<8x1280xf32>, vector<8x1280xf32>)  : i32 {
        %mul3A_59 = arith.constant 8 : i32
        %mul3A_60 = arith.muli %scan3A_55, %mul3A_59 : i32
        %add3A_61 = arith.constant 0 : i32
        %add3A_62 = arith.addi %mul3A_60, %add3A_61 : i32
        %mul3A_63 = arith.constant 8 : i32
        %mul3A_64 = arith.muli %add3A_62, %mul3A_63 : i32
        %get3A_65 = arith.index_cast %mul3A_64 : i32 to index
        %get3A_66 = arith.constant 0 : index
        %get3A_67 = vector.load %arg3[%get3A_65, %get3A_66] : memref<1024x1280xf32, #tpu.memory_space<vmem>>, vector<8x1280xf32>
        %get3A_68 = arith.index_cast %mul3A_64 : i32 to index
        %get3A_69 = arith.constant 0 : index
        %get3A_70 = vector.load %arg8[%get3A_68, %get3A_69] : memref<1024x1280xf32, #tpu.memory_space<vmem>>, vector<8x1280xf32>
        %sub3A_71 = arith.subi %sub3A_12, %mul3A_64 : i32
        %lt3A = vector.broadcast %sub3A_71 : i32 to vector<8x1280xi32>
        %lt3A_72 = arith.cmpi slt, %iota3A, %lt3A : vector<8x1280xi32>
        %jit3A = arith.constant 0.000000e+00 : f32
        %broadcast_in_dim3A_73 = vector.broadcast %jit3A : f32 to vector<8x1280xf32>
        %select_n3A = arith.select %lt3A_72, %get3A_67, %broadcast_in_dim3A_73 : vector<8x1280xi1>, vector<8x1280xf32>
        %gt3A = vector.broadcast %get3A_10 : f32 to vector<8x1280xf32>
        %gt3A_74 = arith.cmpf ogt, %select_n3A, %gt3A : vector<8x1280xf32>
        %jit3A_75 = arith.constant 1.000000e+00 : f32
        %jit3A_76 = arith.constant 0.000000e+00 : f32
        %broadcast_in_dim3A_77 = vector.broadcast %jit3A_75 : f32 to vector<8x1280xf32>
        %broadcast_in_dim3A_78 = vector.broadcast %jit3A_76 : f32 to vector<8x1280xf32>
        %select_n3A_79 = arith.select %gt3A_74, %broadcast_in_dim3A_77, %broadcast_in_dim3A_78 : vector<8x1280xi1>, vector<8x1280xf32>
        %add3A_80 = arith.addf %scan3A_56, %select_n3A_79 : vector<8x1280xf32>
        %jit3A_81 = arith.constant 0.000000e+00 : f32
        %broadcast_in_dim3A_82 = vector.broadcast %jit3A_81 : f32 to vector<8x1280xf32>
        %select_n3A_83 = arith.select %gt3A_74, %select_n3A, %broadcast_in_dim3A_82 : vector<8x1280xi1>, vector<8x1280xf32>
        %add3A_84 = arith.addf %scan3A_57, %select_n3A_83 : vector<8x1280xf32>
        %jit3A_85 = arith.constant 0.000000e+00 : f32
        %broadcast_in_dim3A_86 = vector.broadcast %jit3A_85 : f32 to vector<8x1280xf32>
        %select_n3A_87 = arith.select %gt3A_74, %get3A_70, %broadcast_in_dim3A_86 : vector<8x1280xi1>, vector<8x1280xf32>
        %add3A_88 = arith.addf %scan3A_58, %select_n3A_87 : vector<8x1280xf32>
        %mul3A_89 = arith.constant 8 : i32
        %mul3A_90 = arith.muli %scan3A_55, %mul3A_89 : i32
        %add3A_91 = arith.constant 1 : i32
        %add3A_92 = arith.addi %mul3A_90, %add3A_91 : i32
        %mul3A_93 = arith.constant 8 : i32
        %mul3A_94 = arith.muli %add3A_92, %mul3A_93 : i32
        %get3A_95 = arith.index_cast %mul3A_94 : i32 to index
        %get3A_96 = arith.constant 0 : index
        %get3A_97 = vector.load %arg3[%get3A_95, %get3A_96] : memref<1024x1280xf32, #tpu.memory_space<vmem>>, vector<8x1280xf32>
        %get3A_98 = arith.index_cast %mul3A_94 : i32 to index
        %get3A_99 = arith.constant 0 : index
        %get3A_100 = vector.load %arg8[%get3A_98, %get3A_99] : memref<1024x1280xf32, #tpu.memory_space<vmem>>, vector<8x1280xf32>
        %sub3A_101 = arith.subi %sub3A_12, %mul3A_94 : i32
        %lt3A_102 = vector.broadcast %sub3A_101 : i32 to vector<8x1280xi32>
        %lt3A_103 = arith.cmpi slt, %iota3A, %lt3A_102 : vector<8x1280xi32>
        %jit3A_104 = arith.constant 0.000000e+00 : f32
        %broadcast_in_dim3A_105 = vector.broadcast %jit3A_104 : f32 to vector<8x1280xf32>
        %select_n3A_106 = arith.select %lt3A_103, %get3A_97, %broadcast_in_dim3A_105 : vector<8x1280xi1>, vector<8x1280xf32>
        %gt3A_107 = vector.broadcast %get3A_10 : f32 to vector<8x1280xf32>
        %gt3A_108 = arith.cmpf ogt, %select_n3A_106, %gt3A_107 : vector<8x1280xf32>
        %jit3A_109 = arith.constant 1.000000e+00 : f32
        %jit3A_110 = arith.constant 0.000000e+00 : f32
        %broadcast_in_dim3A_111 = vector.broadcast %jit3A_109 : f32 to vector<8x1280xf32>
        %broadcast_in_dim3A_112 = vector.broadcast %jit3A_110 : f32 to vector<8x1280xf32>
        %select_n3A_113 = arith.select %gt3A_108, %broadcast_in_dim3A_111, %broadcast_in_dim3A_112 : vector<8x1280xi1>, vector<8x1280xf32>
        %add3A_114 = arith.addf %add3A_80, %select_n3A_113 : vector<8x1280xf32>
        %jit3A_115 = arith.constant 0.000000e+00 : f32
        %broadcast_in_dim3A_116 = vector.broadcast %jit3A_115 : f32 to vector<8x1280xf32>
        %select_n3A_117 = arith.select %gt3A_108, %select_n3A_106, %broadcast_in_dim3A_116 : vector<8x1280xi1>, vector<8x1280xf32>
        %add3A_118 = arith.addf %add3A_84, %select_n3A_117 : vector<8x1280xf32>
        %jit3A_119 = arith.constant 0.000000e+00 : f32
        %broadcast_in_dim3A_120 = vector.broadcast %jit3A_119 : f32 to vector<8x1280xf32>
        %select_n3A_121 = arith.select %gt3A_108, %get3A_100, %broadcast_in_dim3A_120 : vector<8x1280xi1>, vector<8x1280xf32>
        %add3A_122 = arith.addf %add3A_88, %select_n3A_121 : vector<8x1280xf32>
        %mul3A_123 = arith.constant 8 : i32
        %mul3A_124 = arith.muli %scan3A_55, %mul3A_123 : i32
        %add3A_125 = arith.constant 2 : i32
        %add3A_126 = arith.addi %mul3A_124, %add3A_125 : i32
        %mul3A_127 = arith.constant 8 : i32
        %mul3A_128 = arith.muli %add3A_126, %mul3A_127 : i32
        %get3A_129 = arith.index_cast %mul3A_128 : i32 to index
        %get3A_130 = arith.constant 0 : index
        %get3A_131 = vector.load %arg3[%get3A_129, %get3A_130] : memref<1024x1280xf32, #tpu.memory_space<vmem>>, vector<8x1280xf32>
        %get3A_132 = arith.index_cast %mul3A_128 : i32 to index
        %get3A_133 = arith.constant 0 : index
        %get3A_134 = vector.load %arg8[%get3A_132, %get3A_133] : memref<1024x1280xf32, #tpu.memory_space<vmem>>, vector<8x1280xf32>
        %sub3A_135 = arith.subi %sub3A_12, %mul3A_128 : i32
        %lt3A_136 = vector.broadcast %sub3A_135 : i32 to vector<8x1280xi32>
        %lt3A_137 = arith.cmpi slt, %iota3A, %lt3A_136 : vector<8x1280xi32>
        %jit3A_138 = arith.constant 0.000000e+00 : f32
        %broadcast_in_dim3A_139 = vector.broadcast %jit3A_138 : f32 to vector<8x1280xf32>
        %select_n3A_140 = arith.select %lt3A_137, %get3A_131, %broadcast_in_dim3A_139 : vector<8x1280xi1>, vector<8x1280xf32>
        %gt3A_141 = vector.broadcast %get3A_10 : f32 to vector<8x1280xf32>
        %gt3A_142 = arith.cmpf ogt, %select_n3A_140, %gt3A_141 : vector<8x1280xf32>
        %jit3A_143 = arith.constant 1.000000e+00 : f32
        %jit3A_144 = arith.constant 0.000000e+00 : f32
        %broadcast_in_dim3A_145 = vector.broadcast %jit3A_143 : f32 to vector<8x1280xf32>
        %broadcast_in_dim3A_146 = vector.broadcast %jit3A_144 : f32 to vector<8x1280xf32>
        %select_n3A_147 = arith.select %gt3A_142, %broadcast_in_dim3A_145, %broadcast_in_dim3A_146 : vector<8x1280xi1>, vector<8x1280xf32>
        %add3A_148 = arith.addf %add3A_114, %select_n3A_147 : vector<8x1280xf32>
        %jit3A_149 = arith.constant 0.000000e+00 : f32
        %broadcast_in_dim3A_150 = vector.broadcast %jit3A_149 : f32 to vector<8x1280xf32>
        %select_n3A_151 = arith.select %gt3A_142, %select_n3A_140, %broadcast_in_dim3A_150 : vector<8x1280xi1>, vector<8x1280xf32>
        %add3A_152 = arith.addf %add3A_118, %select_n3A_151 : vector<8x1280xf32>
        %jit3A_153 = arith.constant 0.000000e+00 : f32
        %broadcast_in_dim3A_154 = vector.broadcast %jit3A_153 : f32 to vector<8x1280xf32>
        %select_n3A_155 = arith.select %gt3A_142, %get3A_134, %broadcast_in_dim3A_154 : vector<8x1280xi1>, vector<8x1280xf32>
        %add3A_156 = arith.addf %add3A_122, %select_n3A_155 : vector<8x1280xf32>
        %mul3A_157 = arith.constant 8 : i32
        %mul3A_158 = arith.muli %scan3A_55, %mul3A_157 : i32
        %add3A_159 = arith.constant 3 : i32
        %add3A_160 = arith.addi %mul3A_158, %add3A_159 : i32
        %mul3A_161 = arith.constant 8 : i32
        %mul3A_162 = arith.muli %add3A_160, %mul3A_161 : i32
        %get3A_163 = arith.index_cast %mul3A_162 : i32 to index
        %get3A_164 = arith.constant 0 : index
        %get3A_165 = vector.load %arg3[%get3A_163, %get3A_164] : memref<1024x1280xf32, #tpu.memory_space<vmem>>, vector<8x1280xf32>
        %get3A_166 = arith.index_cast %mul3A_162 : i32 to index
        %get3A_167 = arith.constant 0 : index
        %get3A_168 = vector.load %arg8[%get3A_166, %get3A_167] : memref<1024x1280xf32, #tpu.memory_space<vmem>>, vector<8x1280xf32>
        %sub3A_169 = arith.subi %sub3A_12, %mul3A_162 : i32
        %lt3A_170 = vector.broadcast %sub3A_169 : i32 to vector<8x1280xi32>
        %lt3A_171 = arith.cmpi slt, %iota3A, %lt3A_170 : vector<8x1280xi32>
        %jit3A_172 = arith.constant 0.000000e+00 : f32
        %broadcast_in_dim3A_173 = vector.broadcast %jit3A_172 : f32 to vector<8x1280xf32>
        %select_n3A_174 = arith.select %lt3A_171, %get3A_165, %broadcast_in_dim3A_173 : vector<8x1280xi1>, vector<8x1280xf32>
        %gt3A_175 = vector.broadcast %get3A_10 : f32 to vector<8x1280xf32>
        %gt3A_176 = arith.cmpf ogt, %select_n3A_174, %gt3A_175 : vector<8x1280xf32>
        %jit3A_177 = arith.constant 1.000000e+00 : f32
        %jit3A_178 = arith.constant 0.000000e+00 : f32
        %broadcast_in_dim3A_179 = vector.broadcast %jit3A_177 : f32 to vector<8x1280xf32>
        %broadcast_in_dim3A_180 = vector.broadcast %jit3A_178 : f32 to vector<8x1280xf32>
        %select_n3A_181 = arith.select %gt3A_176, %broadcast_in_dim3A_179, %broadcast_in_dim3A_180 : vector<8x1280xi1>, vector<8x1280xf32>
        %add3A_182 = arith.addf %add3A_148, %select_n3A_181 : vector<8x1280xf32>
        %jit3A_183 = arith.constant 0.000000e+00 : f32
        %broadcast_in_dim3A_184 = vector.broadcast %jit3A_183 : f32 to vector<8x1280xf32>
        %select_n3A_185 = arith.select %gt3A_176, %select_n3A_174, %broadcast_in_dim3A_184 : vector<8x1280xi1>, vector<8x1280xf32>
        %add3A_186 = arith.addf %add3A_152, %select_n3A_185 : vector<8x1280xf32>
        %jit3A_187 = arith.constant 0.000000e+00 : f32
        %broadcast_in_dim3A_188 = vector.broadcast %jit3A_187 : f32 to vector<8x1280xf32>
        %select_n3A_189 = arith.select %gt3A_176, %get3A_168, %broadcast_in_dim3A_188 : vector<8x1280xi1>, vector<8x1280xf32>
        %add3A_190 = arith.addf %add3A_156, %select_n3A_189 : vector<8x1280xf32>
        %mul3A_191 = arith.constant 8 : i32
        %mul3A_192 = arith.muli %scan3A_55, %mul3A_191 : i32
        %add3A_193 = arith.constant 4 : i32
        %add3A_194 = arith.addi %mul3A_192, %add3A_193 : i32
        %mul3A_195 = arith.constant 8 : i32
        %mul3A_196 = arith.muli %add3A_194, %mul3A_195 : i32
        %get3A_197 = arith.index_cast %mul3A_196 : i32 to index
        %get3A_198 = arith.constant 0 : index
        %get3A_199 = vector.load %arg3[%get3A_197, %get3A_198] : memref<1024x1280xf32, #tpu.memory_space<vmem>>, vector<8x1280xf32>
        %get3A_200 = arith.index_cast %mul3A_196 : i32 to index
        %get3A_201 = arith.constant 0 : index
        %get3A_202 = vector.load %arg8[%get3A_200, %get3A_201] : memref<1024x1280xf32, #tpu.memory_space<vmem>>, vector<8x1280xf32>
        %sub3A_203 = arith.subi %sub3A_12, %mul3A_196 : i32
        %lt3A_204 = vector.broadcast %sub3A_203 : i32 to vector<8x1280xi32>
        %lt3A_205 = arith.cmpi slt, %iota3A, %lt3A_204 : vector<8x1280xi32>
        %jit3A_206 = arith.constant 0.000000e+00 : f32
        %broadcast_in_dim3A_207 = vector.broadcast %jit3A_206 : f32 to vector<8x1280xf32>
        %select_n3A_208 = arith.select %lt3A_205, %get3A_199, %broadcast_in_dim3A_207 : vector<8x1280xi1>, vector<8x1280xf32>
        %gt3A_209 = vector.broadcast %get3A_10 : f32 to vector<8x1280xf32>
        %gt3A_210 = arith.cmpf ogt, %select_n3A_208, %gt3A_209 : vector<8x1280xf32>
        %jit3A_211 = arith.constant 1.000000e+00 : f32
        %jit3A_212 = arith.constant 0.000000e+00 : f32
        %broadcast_in_dim3A_213 = vector.broadcast %jit3A_211 : f32 to vector<8x1280xf32>
        %broadcast_in_dim3A_214 = vector.broadcast %jit3A_212 : f32 to vector<8x1280xf32>
        %select_n3A_215 = arith.select %gt3A_210, %broadcast_in_dim3A_213, %broadcast_in_dim3A_214 : vector<8x1280xi1>, vector<8x1280xf32>
        %add3A_216 = arith.addf %add3A_182, %select_n3A_215 : vector<8x1280xf32>
        %jit3A_217 = arith.constant 0.000000e+00 : f32
        %broadcast_in_dim3A_218 = vector.broadcast %jit3A_217 : f32 to vector<8x1280xf32>
        %select_n3A_219 = arith.select %gt3A_210, %select_n3A_208, %broadcast_in_dim3A_218 : vector<8x1280xi1>, vector<8x1280xf32>
        %add3A_220 = arith.addf %add3A_186, %select_n3A_219 : vector<8x1280xf32>
        %jit3A_221 = arith.constant 0.000000e+00 : f32
        %broadcast_in_dim3A_222 = vector.broadcast %jit3A_221 : f32 to vector<8x1280xf32>
        %select_n3A_223 = arith.select %gt3A_210, %get3A_202, %broadcast_in_dim3A_222 : vector<8x1280xi1>, vector<8x1280xf32>
        %add3A_224 = arith.addf %add3A_190, %select_n3A_223 : vector<8x1280xf32>
        %mul3A_225 = arith.constant 8 : i32
        %mul3A_226 = arith.muli %scan3A_55, %mul3A_225 : i32
        %add3A_227 = arith.constant 5 : i32
        %add3A_228 = arith.addi %mul3A_226, %add3A_227 : i32
        %mul3A_229 = arith.constant 8 : i32
        %mul3A_230 = arith.muli %add3A_228, %mul3A_229 : i32
        %get3A_231 = arith.index_cast %mul3A_230 : i32 to index
        %get3A_232 = arith.constant 0 : index
        %get3A_233 = vector.load %arg3[%get3A_231, %get3A_232] : memref<1024x1280xf32, #tpu.memory_space<vmem>>, vector<8x1280xf32>
        %get3A_234 = arith.index_cast %mul3A_230 : i32 to index
        %get3A_235 = arith.constant 0 : index
        %get3A_236 = vector.load %arg8[%get3A_234, %get3A_235] : memref<1024x1280xf32, #tpu.memory_space<vmem>>, vector<8x1280xf32>
        %sub3A_237 = arith.subi %sub3A_12, %mul3A_230 : i32
        %lt3A_238 = vector.broadcast %sub3A_237 : i32 to vector<8x1280xi32>
        %lt3A_239 = arith.cmpi slt, %iota3A, %lt3A_238 : vector<8x1280xi32>
        %jit3A_240 = arith.constant 0.000000e+00 : f32
        %broadcast_in_dim3A_241 = vector.broadcast %jit3A_240 : f32 to vector<8x1280xf32>
        %select_n3A_242 = arith.select %lt3A_239, %get3A_233, %broadcast_in_dim3A_241 : vector<8x1280xi1>, vector<8x1280xf32>
        %gt3A_243 = vector.broadcast %get3A_10 : f32 to vector<8x1280xf32>
        %gt3A_244 = arith.cmpf ogt, %select_n3A_242, %gt3A_243 : vector<8x1280xf32>
        %jit3A_245 = arith.constant 1.000000e+00 : f32
        %jit3A_246 = arith.constant 0.000000e+00 : f32
        %broadcast_in_dim3A_247 = vector.broadcast %jit3A_245 : f32 to vector<8x1280xf32>
        %broadcast_in_dim3A_248 = vector.broadcast %jit3A_246 : f32 to vector<8x1280xf32>
        %select_n3A_249 = arith.select %gt3A_244, %broadcast_in_dim3A_247, %broadcast_in_dim3A_248 : vector<8x1280xi1>, vector<8x1280xf32>
        %add3A_250 = arith.addf %add3A_216, %select_n3A_249 : vector<8x1280xf32>
        %jit3A_251 = arith.constant 0.000000e+00 : f32
        %broadcast_in_dim3A_252 = vector.broadcast %jit3A_251 : f32 to vector<8x1280xf32>
        %select_n3A_253 = arith.select %gt3A_244, %select_n3A_242, %broadcast_in_dim3A_252 : vector<8x1280xi1>, vector<8x1280xf32>
        %add3A_254 = arith.addf %add3A_220, %select_n3A_253 : vector<8x1280xf32>
        %jit3A_255 = arith.constant 0.000000e+00 : f32
        %broadcast_in_dim3A_256 = vector.broadcast %jit3A_255 : f32 to vector<8x1280xf32>
        %select_n3A_257 = arith.select %gt3A_244, %get3A_236, %broadcast_in_dim3A_256 : vector<8x1280xi1>, vector<8x1280xf32>
        %add3A_258 = arith.addf %add3A_224, %select_n3A_257 : vector<8x1280xf32>
        %mul3A_259 = arith.constant 8 : i32
        %mul3A_260 = arith.muli %scan3A_55, %mul3A_259 : i32
        %add3A_261 = arith.constant 6 : i32
        %add3A_262 = arith.addi %mul3A_260, %add3A_261 : i32
        %mul3A_263 = arith.constant 8 : i32
        %mul3A_264 = arith.muli %add3A_262, %mul3A_263 : i32
        %get3A_265 = arith.index_cast %mul3A_264 : i32 to index
        %get3A_266 = arith.constant 0 : index
        %get3A_267 = vector.load %arg3[%get3A_265, %get3A_266] : memref<1024x1280xf32, #tpu.memory_space<vmem>>, vector<8x1280xf32>
        %get3A_268 = arith.index_cast %mul3A_264 : i32 to index
        %get3A_269 = arith.constant 0 : index
        %get3A_270 = vector.load %arg8[%get3A_268, %get3A_269] : memref<1024x1280xf32, #tpu.memory_space<vmem>>, vector<8x1280xf32>
        %sub3A_271 = arith.subi %sub3A_12, %mul3A_264 : i32
        %lt3A_272 = vector.broadcast %sub3A_271 : i32 to vector<8x1280xi32>
        %lt3A_273 = arith.cmpi slt, %iota3A, %lt3A_272 : vector<8x1280xi32>
        %jit3A_274 = arith.constant 0.000000e+00 : f32
        %broadcast_in_dim3A_275 = vector.broadcast %jit3A_274 : f32 to vector<8x1280xf32>
        %select_n3A_276 = arith.select %lt3A_273, %get3A_267, %broadcast_in_dim3A_275 : vector<8x1280xi1>, vector<8x1280xf32>
        %gt3A_277 = vector.broadcast %get3A_10 : f32 to vector<8x1280xf32>
        %gt3A_278 = arith.cmpf ogt, %select_n3A_276, %gt3A_277 : vector<8x1280xf32>
        %jit3A_279 = arith.constant 1.000000e+00 : f32
        %jit3A_280 = arith.constant 0.000000e+00 : f32
        %broadcast_in_dim3A_281 = vector.broadcast %jit3A_279 : f32 to vector<8x1280xf32>
        %broadcast_in_dim3A_282 = vector.broadcast %jit3A_280 : f32 to vector<8x1280xf32>
        %select_n3A_283 = arith.select %gt3A_278, %broadcast_in_dim3A_281, %broadcast_in_dim3A_282 : vector<8x1280xi1>, vector<8x1280xf32>
        %add3A_284 = arith.addf %add3A_250, %select_n3A_283 : vector<8x1280xf32>
        %jit3A_285 = arith.constant 0.000000e+00 : f32
        %broadcast_in_dim3A_286 = vector.broadcast %jit3A_285 : f32 to vector<8x1280xf32>
        %select_n3A_287 = arith.select %gt3A_278, %select_n3A_276, %broadcast_in_dim3A_286 : vector<8x1280xi1>, vector<8x1280xf32>
        %add3A_288 = arith.addf %add3A_254, %select_n3A_287 : vector<8x1280xf32>
        %jit3A_289 = arith.constant 0.000000e+00 : f32
        %broadcast_in_dim3A_290 = vector.broadcast %jit3A_289 : f32 to vector<8x1280xf32>
        %select_n3A_291 = arith.select %gt3A_278, %get3A_270, %broadcast_in_dim3A_290 : vector<8x1280xi1>, vector<8x1280xf32>
        %add3A_292 = arith.addf %add3A_258, %select_n3A_291 : vector<8x1280xf32>
        %mul3A_293 = arith.constant 8 : i32
        %mul3A_294 = arith.muli %scan3A_55, %mul3A_293 : i32
        %add3A_295 = arith.constant 7 : i32
        %add3A_296 = arith.addi %mul3A_294, %add3A_295 : i32
        %mul3A_297 = arith.constant 8 : i32
        %mul3A_298 = arith.muli %add3A_296, %mul3A_297 : i32
        %get3A_299 = arith.index_cast %mul3A_298 : i32 to index
        %get3A_300 = arith.constant 0 : index
        %get3A_301 = vector.load %arg3[%get3A_299, %get3A_300] : memref<1024x1280xf32, #tpu.memory_space<vmem>>, vector<8x1280xf32>
        %get3A_302 = arith.index_cast %mul3A_298 : i32 to index
        %get3A_303 = arith.constant 0 : index
        %get3A_304 = vector.load %arg8[%get3A_302, %get3A_303] : memref<1024x1280xf32, #tpu.memory_space<vmem>>, vector<8x1280xf32>
        %sub3A_305 = arith.subi %sub3A_12, %mul3A_298 : i32
        %lt3A_306 = vector.broadcast %sub3A_305 : i32 to vector<8x1280xi32>
        %lt3A_307 = arith.cmpi slt, %iota3A, %lt3A_306 : vector<8x1280xi32>
        %jit3A_308 = arith.constant 0.000000e+00 : f32
        %broadcast_in_dim3A_309 = vector.broadcast %jit3A_308 : f32 to vector<8x1280xf32>
        %select_n3A_310 = arith.select %lt3A_307, %get3A_301, %broadcast_in_dim3A_309 : vector<8x1280xi1>, vector<8x1280xf32>
        %gt3A_311 = vector.broadcast %get3A_10 : f32 to vector<8x1280xf32>
        %gt3A_312 = arith.cmpf ogt, %select_n3A_310, %gt3A_311 : vector<8x1280xf32>
        %jit3A_313 = arith.constant 1.000000e+00 : f32
        %jit3A_314 = arith.constant 0.000000e+00 : f32
        %broadcast_in_dim3A_315 = vector.broadcast %jit3A_313 : f32 to vector<8x1280xf32>
        %broadcast_in_dim3A_316 = vector.broadcast %jit3A_314 : f32 to vector<8x1280xf32>
        %select_n3A_317 = arith.select %gt3A_312, %broadcast_in_dim3A_315, %broadcast_in_dim3A_316 : vector<8x1280xi1>, vector<8x1280xf32>
        %add3A_318 = arith.addf %add3A_284, %select_n3A_317 : vector<8x1280xf32>
        %jit3A_319 = arith.constant 0.000000e+00 : f32
        %broadcast_in_dim3A_320 = vector.broadcast %jit3A_319 : f32 to vector<8x1280xf32>
        %select_n3A_321 = arith.select %gt3A_312, %select_n3A_310, %broadcast_in_dim3A_320 : vector<8x1280xi1>, vector<8x1280xf32>
        %add3A_322 = arith.addf %add3A_288, %select_n3A_321 : vector<8x1280xf32>
        %jit3A_323 = arith.constant 0.000000e+00 : f32
        %broadcast_in_dim3A_324 = vector.broadcast %jit3A_323 : f32 to vector<8x1280xf32>
        %select_n3A_325 = arith.select %gt3A_312, %get3A_304, %broadcast_in_dim3A_324 : vector<8x1280xi1>, vector<8x1280xf32>
        %add3A_326 = arith.addf %add3A_292, %select_n3A_325 : vector<8x1280xf32>
        scf.yield %add3A_318, %add3A_322, %add3A_326 : vector<8x1280xf32>, vector<8x1280xf32>, vector<8x1280xf32>
      }
      %scan3A_27 = arith.constant 16 : i32
      %get3A_28 = arith.index_cast %arg1 : i32 to index
      %get3A_29 = arith.constant 0 : index
      %get3A_30 = vector.load %arg5[%get3A_28, %get3A_29] : memref<11x1280xf32, #tpu.memory_space<vmem>>, vector<1x1280xf32>
      %reduce_sum3A = arith.constant dense<0.000000e+00> : vector<1280xf32>
      %reduce_sum3A_31 = vector.multi_reduction <add>, %scan3A_26#0, %reduce_sum3A [0] : vector<8x1280xf32> to vector<1280xf32>
      %broadcast_in_dim3A_32 = vector.shape_cast %reduce_sum3A_31 : vector<1280xf32> to vector<1x1280xf32>
      %add3A = arith.addf %get3A_30, %broadcast_in_dim3A_32 : vector<1x1280xf32>
      %swap3A = arith.index_cast %arg1 : i32 to index
      %swap3A_33 = arith.constant 0 : index
      %swap3A_34 = vector.load %arg5[%swap3A, %swap3A_33] : memref<11x1280xf32, #tpu.memory_space<vmem>>, vector<1x1280xf32>
      tpu.vector_store %arg5[%swap3A, %swap3A_33], %add3A {strides = array<i32>} : memref<11x1280xf32, #tpu.memory_space<vmem>>, vector<1x1280xf32>,
      %get3A_35 = arith.index_cast %arg1 : i32 to index
      %get3A_36 = arith.constant 0 : index
      %get3A_37 = vector.load %arg6[%get3A_35, %get3A_36] : memref<11x1280xf32, #tpu.memory_space<vmem>>, vector<1x1280xf32>
      %reduce_sum3A_38 = arith.constant dense<0.000000e+00> : vector<1280xf32>
      %reduce_sum3A_39 = vector.multi_reduction <add>, %scan3A_26#1, %reduce_sum3A_38 [0] : vector<8x1280xf32> to vector<1280xf32>
      %broadcast_in_dim3A_40 = vector.shape_cast %reduce_sum3A_39 : vector<1280xf32> to vector<1x1280xf32>
      %add3A_41 = arith.addf %get3A_37, %broadcast_in_dim3A_40 : vector<1x1280xf32>
      %swap3A_42 = arith.index_cast %arg1 : i32 to index
      %swap3A_43 = arith.constant 0 : index
      %swap3A_44 = vector.load %arg6[%swap3A_42, %swap3A_43] : memref<11x1280xf32, #tpu.memory_space<vmem>>, vector<1x1280xf32>
      tpu.vector_store %arg6[%swap3A_42, %swap3A_43], %add3A_41 {strides = array<i32>} : memref<11x1280xf32, #tpu.memory_space<vmem>>, vector<1x1280xf32>,
      %get3A_45 = arith.index_cast %arg1 : i32 to index
      %get3A_46 = arith.constant 0 : index
      %get3A_47 = vector.load %arg7[%get3A_45, %get3A_46] : memref<11x1280xf32, #tpu.memory_space<vmem>>, vector<1x1280xf32>
      %reduce_sum3A_48 = arith.constant dense<0.000000e+00> : vector<1280xf32>
      %reduce_sum3A_49 = vector.multi_reduction <add>, %scan3A_26#2, %reduce_sum3A_48 [0] : vector<8x1280xf32> to vector<1280xf32>
      %broadcast_in_dim3A_50 = vector.shape_cast %reduce_sum3A_49 : vector<1280xf32> to vector<1x1280xf32>
      %add3A_51 = arith.addf %get3A_47, %broadcast_in_dim3A_50 : vector<1x1280xf32>
      %swap3A_52 = arith.index_cast %arg1 : i32 to index
      %swap3A_53 = arith.constant 0 : index
      %swap3A_54 = vector.load %arg7[%swap3A_52, %swap3A_53] : memref<11x1280xf32, #tpu.memory_space<vmem>>, vector<1x1280xf32>
      tpu.vector_store %arg7[%swap3A_52, %swap3A_53], %add3A_51 {strides = array<i32>} : memref<11x1280xf32, #tpu.memory_space<vmem>>, vector<1x1280xf32>,
    } else {
    }
    return
  }
  func.func @transform_0(%arg0: i32, %arg1: i32) -> (i32, i32) {
    %c0_i32 = arith.constant 0 : i32
    %c0_i32_0 = arith.constant 0 : i32
    %c0_i32_1 = arith.constant 0 : i32
    return %c0_i32, %c0_i32_0 : i32, i32
  }
  func.func @transform_1(%arg0: i32, %arg1: i32) -> (i32, i32) {
    %c0_i32 = arith.constant 0 : i32
    %c0_i32_0 = arith.constant 0 : i32
    return %arg0, %c0_i32 : i32, i32
  }
  func.func @transform_2(%arg0: i32, %arg1: i32) -> (i32, i32) {
    %c0_i32 = arith.constant 0 : i32
    %c0_i32_0 = arith.constant 0 : i32
    return %arg0, %c0_i32 : i32, i32
  }
  func.func @transform_3(%arg0: i32, %arg1: i32) -> (i32, i32) {
    %c0_i32 = arith.constant 0 : i32
    %c0_i32_0 = arith.constant 0 : i32
    %c0_i32_1 = arith.constant 0 : i32
    return %c0_i32, %c0_i32_0 : i32, i32
  }
  func.func @transform_4(%arg0: i32, %arg1: i32) -> (i32, i32) {
    %c0_i32 = arith.constant 0 : i32
    %c0_i32_0 = arith.constant 0 : i32
    %c0_i32_1 = arith.constant 0 : i32
    return %c0_i32, %c0_i32_0 : i32, i32
  }
  func.func @transform_5(%arg0: i32, %arg1: i32) -> (i32, i32) {
    %c0_i32 = arith.constant 0 : i32
    %c0_i32_0 = arith.constant 0 : i32
    %c0_i32_1 = arith.constant 0 : i32
    return %c0_i32, %c0_i32_0 : i32, i32
  }
}

module attributes {stable_mosaic.version = 14 : i64} {
  func.func @_part_kernel(%arg0: i32, %arg1: i32, %arg2: memref<1x11xf32, #tpu.memory_space<smem>>, %arg3: memref<1024x1280xf32, #tpu.memory_space<vmem>>, %arg4: memref<1024x128xi32, #tpu.memory_space<vmem>>, %arg5: memref<11x1280xf32, #tpu.memory_space<vmem>>, %arg6: memref<11x1280xf32, #tpu.memory_space<vmem>>, %arg7: memref<11x1280xf32, #tpu.memory_space<vmem>>, %arg8: memref<1024x1280xf32, #tpu.memory_space<vmem>>) attributes {dimension_semantics = [#tpu.dimension_semantics<arbitrary>, #tpu.dimension_semantics<arbitrary>], iteration_bounds = array<i64: 8, 11>, scalar_prefetch = 0 : i64, scratch_operands = 1 : i64, tpu.core_type = #tpu.core_type<tc>, window_params = [{transform_indices = @transform_0, window_bounds = array<i64: 1, 11>}, {transform_indices = @transform_1, window_bounds = array<i64: 1024, 1280>}, {transform_indices = @transform_2, window_bounds = array<i64: 1024, 128>}, {pipeline_mode = #tpu.pipeline_mode<synchronous>, transform_indices = @transform_3, window_bounds = array<i64: 11, 1280>}, {pipeline_mode = #tpu.pipeline_mode<synchronous>, transform_indices = @transform_4, window_bounds = array<i64: 11, 1280>}, {pipeline_mode = #tpu.pipeline_mode<synchronous>, transform_indices = @transform_5, window_bounds = array<i64: 11, 1280>}]} {
    %eq3A = arith.constant 0 : i32
    %eq3A_0 = arith.cmpi eq, %arg0, %eq3A : i32
    %eq3A_1 = arith.constant 0 : i32
    %eq3A_2 = arith.cmpi eq, %arg1, %eq3A_1 : i32
    %and3A = arith.andi %eq3A_0, %eq3A_2 : i1
    %convert_element_type3A = arith.extui %and3A : i1 to i32
    %cond3A = arith.constant 0 : i32
    %cond3A_3 = arith.cmpi ne, %convert_element_type3A, %cond3A : i32
    scf.if %cond3A_3 {
      %broadcast_in_dim3A_23 = arith.constant 0.000000e+00 : f32
      %broadcast_in_dim3A_24 = vector.broadcast %broadcast_in_dim3A_23 : f32 to vector<11x1280xf32>
      %swap3A = arith.constant 0 : index
      %swap3A_25 = arith.constant 0 : index
      %swap3A_26 = vector.load %arg5[%swap3A, %swap3A_25] : memref<11x1280xf32, #tpu.memory_space<vmem>>, vector<11x1280xf32>
      tpu.vector_store %arg5[%swap3A, %swap3A_25], %broadcast_in_dim3A_24 {strides = array<i32>} : memref<11x1280xf32, #tpu.memory_space<vmem>>, vector<11x1280xf32>,
      %broadcast_in_dim3A_27 = arith.constant 0.000000e+00 : f32
      %broadcast_in_dim3A_28 = vector.broadcast %broadcast_in_dim3A_27 : f32 to vector<11x1280xf32>
      %swap3A_29 = arith.constant 0 : index
      %swap3A_30 = arith.constant 0 : index
      %swap3A_31 = vector.load %arg6[%swap3A_29, %swap3A_30] : memref<11x1280xf32, #tpu.memory_space<vmem>>, vector<11x1280xf32>
      tpu.vector_store %arg6[%swap3A_29, %swap3A_30], %broadcast_in_dim3A_28 {strides = array<i32>} : memref<11x1280xf32, #tpu.memory_space<vmem>>, vector<11x1280xf32>,
      %broadcast_in_dim3A_32 = arith.constant 0.000000e+00 : f32
      %broadcast_in_dim3A_33 = vector.broadcast %broadcast_in_dim3A_32 : f32 to vector<11x1280xf32>
      %swap3A_34 = arith.constant 0 : index
      %swap3A_35 = arith.constant 0 : index
      %swap3A_36 = vector.load %arg7[%swap3A_34, %swap3A_35] : memref<11x1280xf32, #tpu.memory_space<vmem>>, vector<11x1280xf32>
      tpu.vector_store %arg7[%swap3A_34, %swap3A_35], %broadcast_in_dim3A_33 {strides = array<i32>} : memref<11x1280xf32, #tpu.memory_space<vmem>>, vector<11x1280xf32>,
    } else {
    }
    %eq3A_4 = arith.constant 0 : i32
    %eq3A_5 = arith.cmpi eq, %arg1, %eq3A_4 : i32
    %convert_element_type3A_6 = arith.extui %eq3A_5 : i1 to i32
    %cond3A_7 = arith.constant 0 : i32
    %cond3A_8 = arith.cmpi ne, %convert_element_type3A_6, %cond3A_7 : i32
    scf.if %cond3A_8 {
      %get3A_23 = arith.constant 0 : index
      %get3A_24 = arith.constant 0 : index
      %get3A_25 = vector.load %arg4[%get3A_23, %get3A_24] : memref<1024x128xi32, #tpu.memory_space<vmem>>, vector<1024x128xi32>
      %convert_element_type3A_26 = arith.sitofp %get3A_25 : vector<1024x128xi32> to vector<1024x128xf32>
      %iota3A_27 = tpu.iota {dimensions = array<i32: 0>} : vector<128x1280xi32>
      %iota3A_28 = tpu.iota {dimensions = array<i32: 1>} : vector<128x1280xi32>
      %jit3A = arith.constant 10 : i32
      %div3A = vector.broadcast %jit3A : i32 to vector<128x1280xi32>
      %div3A_29 = arith.divsi %iota3A_28, %div3A : vector<128x1280xi32>
      %sign3A = arith.constant 0 : i32
      %sign3A_30 = vector.broadcast %sign3A : i32 to vector<128x1280xi32>
      %sign3A_31 = arith.cmpi sgt, %iota3A_28, %sign3A_30 : vector<128x1280xi32>
      %sign3A_32 = arith.extui %sign3A_31 : vector<128x1280xi1> to vector<128x1280xi32>
      %sign3A_33 = arith.constant 0 : i32
      %sign3A_34 = vector.broadcast %sign3A_33 : i32 to vector<128x1280xi32>
      %sign3A_35 = arith.cmpi slt, %iota3A_28, %sign3A_34 : vector<128x1280xi32>
      %sign3A_36 = arith.extui %sign3A_35 : vector<128x1280xi1> to vector<128x1280xi32>
      %sign3A_37 = arith.subi %sign3A_32, %sign3A_36 : vector<128x1280xi32>
      %sign3A_38 = arith.constant 0 : i32
      %sign3A_39 = arith.cmpi sgt, %jit3A, %sign3A_38 : i32
      %sign3A_40 = arith.extui %sign3A_39 : i1 to i32
      %sign3A_41 = arith.constant 0 : i32
      %sign3A_42 = arith.cmpi slt, %jit3A, %sign3A_41 : i32
      %sign3A_43 = arith.extui %sign3A_42 : i1 to i32
      %sign3A_44 = arith.subi %sign3A_40, %sign3A_43 : i32
      %ne3A = vector.broadcast %sign3A_44 : i32 to vector<128x1280xi32>
      %ne3A_45 = arith.cmpi ne, %sign3A_37, %ne3A : vector<128x1280xi32>
      %rem3A = vector.broadcast %jit3A : i32 to vector<128x1280xi32>
      %rem3A_46 = arith.remsi %iota3A_28, %rem3A : vector<128x1280xi32>
      %ne3A_47 = arith.constant 0 : i32
      %ne3A_48 = vector.broadcast %ne3A_47 : i32 to vector<128x1280xi32>
      %ne3A_49 = arith.cmpi ne, %rem3A_46, %ne3A_48 : vector<128x1280xi32>
      %and3A_50 = arith.andi %ne3A_45, %ne3A_49 : vector<128x1280xi1>
      %sub3A_51 = arith.constant 1 : i32
      %sub3A_52 = vector.broadcast %sub3A_51 : i32 to vector<128x1280xi32>
      %sub3A_53 = arith.subi %div3A_29, %sub3A_52 : vector<128x1280xi32>
      %select_n3A = arith.select %and3A_50, %sub3A_53, %div3A_29 : vector<128x1280xi1>, vector<128x1280xi32>
      %eq3A_54 = arith.cmpi eq, %iota3A_27, %select_n3A : vector<128x1280xi32>
      %convert_element_type3A_55 = arith.extui %eq3A_54 : vector<128x1280xi1> to vector<128x1280xi32>
      %convert_element_type3A_56 = arith.sitofp %convert_element_type3A_55 : vector<128x1280xi32> to vector<128x1280xf32>
      %dot_general3A = arith.constant dense<0.000000e+00> : vector<1024x1280xf32>
      %dot_general3A_57 = tpu.matmul %convert_element_type3A_26, %convert_element_type3A_56, %dot_general3A {dimension_numbers = #tpu.dot_dimension_numbers<[1], [0], [0], [1], [0, 0, 1, 1], [], []>, transpose_lhs_hint = false} : vector<1024x128xf32>, vector<128x1280xf32>, vector<1024x1280xf32> -> vector<1024x1280xf32>
      %iota3A_58 = tpu.iota {dimensions = array<i32: 1>} : vector<1024x1280xi32>
      %jit3A_59 = arith.constant 10 : i32
      %eq3A_60 = arith.constant 0 : i32
      %eq3A_61 = arith.cmpi eq, %jit3A_59, %eq3A_60 : i32
      %jit3A_62 = arith.constant 1 : i32
      %select_n3A_63 = arith.select %eq3A_61, %jit3A_62, %jit3A_59 : i32
      %rem3A_64 = vector.broadcast %select_n3A_63 : i32 to vector<1024x1280xi32>
      %rem3A_65 = arith.remsi %iota3A_58, %rem3A_64 : vector<1024x1280xi32>
      %ne3A_66 = arith.constant 0 : i32
      %ne3A_67 = vector.broadcast %ne3A_66 : i32 to vector<1024x1280xi32>
      %ne3A_68 = arith.cmpi ne, %rem3A_65, %ne3A_67 : vector<1024x1280xi32>
      %lt3A = arith.constant 0 : i32
      %lt3A_69 = vector.broadcast %lt3A : i32 to vector<1024x1280xi32>
      %lt3A_70 = arith.cmpi slt, %rem3A_65, %lt3A_69 : vector<1024x1280xi32>
      %lt3A_71 = arith.constant 0 : i32
      %lt3A_72 = arith.cmpi slt, %select_n3A_63, %lt3A_71 : i32
      %ne3A_73 = vector.broadcast %lt3A_72 : i1 to vector<1024x1280xi1>
      %ne3A_74 = vector.broadcast %ne3A_73 : vector<1024x1280xi1> to vector<1024x1280xi1>
      %ne3A_75 = arith.xori %lt3A_70, %ne3A_74 : vector<1024x1280xi1>
      %and3A_76 = arith.andi %ne3A_75, %ne3A_68 : vector<1024x1280xi1>
      %add3A = vector.broadcast %select_n3A_63 : i32 to vector<1024x1280xi32>
      %add3A_77 = arith.addi %rem3A_65, %add3A : vector<1024x1280xi32>
      %select_n3A_78 = arith.select %and3A_76, %add3A_77, %rem3A_65 : vector<1024x1280xi1>, vector<1024x1280xi32>
      %convert_element_type3A_79 = arith.sitofp %select_n3A_78 : vector<1024x1280xi32> to vector<1024x1280xf32>
      %eq3A_80 = arith.cmpf oeq, %dot_general3A_57, %convert_element_type3A_79 : vector<1024x1280xf32>
      %convert_element_type3A_81 = arith.extui %eq3A_80 : vector<1024x1280xi1> to vector<1024x1280xi32>
      %convert_element_type3A_82 = arith.sitofp %convert_element_type3A_81 : vector<1024x1280xi32> to vector<1024x1280xf32>
      %swap3A = arith.constant 0 : index
      %swap3A_83 = arith.constant 0 : index
      %swap3A_84 = vector.load %arg8[%swap3A, %swap3A_83] : memref<1024x1280xf32, #tpu.memory_space<vmem>>, vector<1024x1280xf32>
      tpu.vector_store %arg8[%swap3A, %swap3A_83], %convert_element_type3A_82 {strides = array<i32>} : memref<1024x1280xf32, #tpu.memory_space<vmem>>, vector<1024x1280xf32>,
    } else {
    }
    %get3A = arith.constant 0 : index
    %get3A_9 = arith.index_cast %arg1 : i32 to index
    %get3A_10 = memref.load %arg2[%get3A, %get3A_9] : memref<1x11xf32, #tpu.memory_space<smem>>
    %mul3A = arith.constant 1024 : i32
    %mul3A_11 = arith.muli %arg0, %mul3A : i32
    %sub3A = arith.constant 7813 : i32
    %sub3A_12 = arith.subi %sub3A, %mul3A_11 : i32
    %broadcast_in_dim3A = arith.constant 0.000000e+00 : f32
    %broadcast_in_dim3A_13 = vector.broadcast %broadcast_in_dim3A : f32 to vector<8x1280xf32>
    %iota3A = tpu.iota {dimensions = array<i32: 0>} : vector<8x1280xi32>
    %eq3A_14 = arith.constant 7 : i32
    %eq3A_15 = arith.cmpi eq, %arg0, %eq3A_14 : i32
    %not3A = arith.constant true
    %not3A_16 = arith.xori %eq3A_15, %not3A : i1
    %convert_element_type3A_17 = arith.extui %not3A_16 : i1 to i32
    %cond3A_18 = arith.constant 0 : i32
    %cond3A_19 = arith.cmpi ne, %convert_element_type3A_17, %cond3A_18 : i32
    scf.if %cond3A_19 {
      %scan3A = arith.constant 0 : i32
      %scan3A_23 = arith.constant 16 : i32
      %scan3A_24 = arith.addi %scan3A, %scan3A_23 : i32
      %scan3A_25 = arith.constant 1 : i32
      %scan3A_26:3 = scf.for %scan3A_55 = %scan3A to %scan3A_24 step %scan3A_25 iter_args(%scan3A_56 = %broadcast_in_dim3A_13, %scan3A_57 = %broadcast_in_dim3A_13, %scan3A_58 = %broadcast_in_dim3A_13) -> (vector<8x1280xf32>, vector<8x1280xf32>, vector<8x1280xf32>)  : i32 {
        %mul3A_59 = arith.constant 8 : i32
        %mul3A_60 = arith.muli %scan3A_55, %mul3A_59 : i32
        %add3A_61 = arith.constant 0 : i32
        %add3A_62 = arith.addi %mul3A_60, %add3A_61 : i32
        %mul3A_63 = arith.constant 8 : i32
        %mul3A_64 = arith.muli %add3A_62, %mul3A_63 : i32
        %get3A_65 = arith.index_cast %mul3A_64 : i32 to index
        %get3A_66 = arith.constant 0 : index
        %get3A_67 = vector.load %arg3[%get3A_65, %get3A_66] : memref<1024x1280xf32, #tpu.memory_space<vmem>>, vector<8x1280xf32>
        %get3A_68 = arith.index_cast %mul3A_64 : i32 to index
        %get3A_69 = arith.constant 0 : index
        %get3A_70 = vector.load %arg8[%get3A_68, %get3A_69] : memref<1024x1280xf32, #tpu.memory_space<vmem>>, vector<8x1280xf32>
        %gt3A = vector.broadcast %get3A_10 : f32 to vector<8x1280xf32>
        %gt3A_71 = arith.cmpf ogt, %get3A_67, %gt3A : vector<8x1280xf32>
        %jit3A = arith.constant 1.000000e+00 : f32
        %jit3A_72 = arith.constant 0.000000e+00 : f32
        %broadcast_in_dim3A_73 = vector.broadcast %jit3A : f32 to vector<8x1280xf32>
        %broadcast_in_dim3A_74 = vector.broadcast %jit3A_72 : f32 to vector<8x1280xf32>
        %select_n3A = arith.select %gt3A_71, %broadcast_in_dim3A_73, %broadcast_in_dim3A_74 : vector<8x1280xi1>, vector<8x1280xf32>
        %add3A_75 = arith.addf %scan3A_56, %select_n3A : vector<8x1280xf32>
        %jit3A_76 = arith.constant 0.000000e+00 : f32
        %broadcast_in_dim3A_77 = vector.broadcast %jit3A_76 : f32 to vector<8x1280xf32>
        %select_n3A_78 = arith.select %gt3A_71, %get3A_67, %broadcast_in_dim3A_77 : vector<8x1280xi1>, vector<8x1280xf32>
        %add3A_79 = arith.addf %scan3A_57, %select_n3A_78 : vector<8x1280xf32>
        %jit3A_80 = arith.constant 0.000000e+00 : f32
        %broadcast_in_dim3A_81 = vector.broadcast %jit3A_80 : f32 to vector<8x1280xf32>
        %select_n3A_82 = arith.select %gt3A_71, %get3A_70, %broadcast_in_dim3A_81 : vector<8x1280xi1>, vector<8x1280xf32>
        %add3A_83 = arith.addf %scan3A_58, %select_n3A_82 : vector<8x1280xf32>
        %mul3A_84 = arith.constant 8 : i32
        %mul3A_85 = arith.muli %scan3A_55, %mul3A_84 : i32
        %add3A_86 = arith.constant 1 : i32
        %add3A_87 = arith.addi %mul3A_85, %add3A_86 : i32
        %mul3A_88 = arith.constant 8 : i32
        %mul3A_89 = arith.muli %add3A_87, %mul3A_88 : i32
        %get3A_90 = arith.index_cast %mul3A_89 : i32 to index
        %get3A_91 = arith.constant 0 : index
        %get3A_92 = vector.load %arg3[%get3A_90, %get3A_91] : memref<1024x1280xf32, #tpu.memory_space<vmem>>, vector<8x1280xf32>
        %get3A_93 = arith.index_cast %mul3A_89 : i32 to index
        %get3A_94 = arith.constant 0 : index
        %get3A_95 = vector.load %arg8[%get3A_93, %get3A_94] : memref<1024x1280xf32, #tpu.memory_space<vmem>>, vector<8x1280xf32>
        %gt3A_96 = vector.broadcast %get3A_10 : f32 to vector<8x1280xf32>
        %gt3A_97 = arith.cmpf ogt, %get3A_92, %gt3A_96 : vector<8x1280xf32>
        %jit3A_98 = arith.constant 1.000000e+00 : f32
        %jit3A_99 = arith.constant 0.000000e+00 : f32
        %broadcast_in_dim3A_100 = vector.broadcast %jit3A_98 : f32 to vector<8x1280xf32>
        %broadcast_in_dim3A_101 = vector.broadcast %jit3A_99 : f32 to vector<8x1280xf32>
        %select_n3A_102 = arith.select %gt3A_97, %broadcast_in_dim3A_100, %broadcast_in_dim3A_101 : vector<8x1280xi1>, vector<8x1280xf32>
        %add3A_103 = arith.addf %add3A_75, %select_n3A_102 : vector<8x1280xf32>
        %jit3A_104 = arith.constant 0.000000e+00 : f32
        %broadcast_in_dim3A_105 = vector.broadcast %jit3A_104 : f32 to vector<8x1280xf32>
        %select_n3A_106 = arith.select %gt3A_97, %get3A_92, %broadcast_in_dim3A_105 : vector<8x1280xi1>, vector<8x1280xf32>
        %add3A_107 = arith.addf %add3A_79, %select_n3A_106 : vector<8x1280xf32>
        %jit3A_108 = arith.constant 0.000000e+00 : f32
        %broadcast_in_dim3A_109 = vector.broadcast %jit3A_108 : f32 to vector<8x1280xf32>
        %select_n3A_110 = arith.select %gt3A_97, %get3A_95, %broadcast_in_dim3A_109 : vector<8x1280xi1>, vector<8x1280xf32>
        %add3A_111 = arith.addf %add3A_83, %select_n3A_110 : vector<8x1280xf32>
        %mul3A_112 = arith.constant 8 : i32
        %mul3A_113 = arith.muli %scan3A_55, %mul3A_112 : i32
        %add3A_114 = arith.constant 2 : i32
        %add3A_115 = arith.addi %mul3A_113, %add3A_114 : i32
        %mul3A_116 = arith.constant 8 : i32
        %mul3A_117 = arith.muli %add3A_115, %mul3A_116 : i32
        %get3A_118 = arith.index_cast %mul3A_117 : i32 to index
        %get3A_119 = arith.constant 0 : index
        %get3A_120 = vector.load %arg3[%get3A_118, %get3A_119] : memref<1024x1280xf32, #tpu.memory_space<vmem>>, vector<8x1280xf32>
        %get3A_121 = arith.index_cast %mul3A_117 : i32 to index
        %get3A_122 = arith.constant 0 : index
        %get3A_123 = vector.load %arg8[%get3A_121, %get3A_122] : memref<1024x1280xf32, #tpu.memory_space<vmem>>, vector<8x1280xf32>
        %gt3A_124 = vector.broadcast %get3A_10 : f32 to vector<8x1280xf32>
        %gt3A_125 = arith.cmpf ogt, %get3A_120, %gt3A_124 : vector<8x1280xf32>
        %jit3A_126 = arith.constant 1.000000e+00 : f32
        %jit3A_127 = arith.constant 0.000000e+00 : f32
        %broadcast_in_dim3A_128 = vector.broadcast %jit3A_126 : f32 to vector<8x1280xf32>
        %broadcast_in_dim3A_129 = vector.broadcast %jit3A_127 : f32 to vector<8x1280xf32>
        %select_n3A_130 = arith.select %gt3A_125, %broadcast_in_dim3A_128, %broadcast_in_dim3A_129 : vector<8x1280xi1>, vector<8x1280xf32>
        %add3A_131 = arith.addf %add3A_103, %select_n3A_130 : vector<8x1280xf32>
        %jit3A_132 = arith.constant 0.000000e+00 : f32
        %broadcast_in_dim3A_133 = vector.broadcast %jit3A_132 : f32 to vector<8x1280xf32>
        %select_n3A_134 = arith.select %gt3A_125, %get3A_120, %broadcast_in_dim3A_133 : vector<8x1280xi1>, vector<8x1280xf32>
        %add3A_135 = arith.addf %add3A_107, %select_n3A_134 : vector<8x1280xf32>
        %jit3A_136 = arith.constant 0.000000e+00 : f32
        %broadcast_in_dim3A_137 = vector.broadcast %jit3A_136 : f32 to vector<8x1280xf32>
        %select_n3A_138 = arith.select %gt3A_125, %get3A_123, %broadcast_in_dim3A_137 : vector<8x1280xi1>, vector<8x1280xf32>
        %add3A_139 = arith.addf %add3A_111, %select_n3A_138 : vector<8x1280xf32>
        %mul3A_140 = arith.constant 8 : i32
        %mul3A_141 = arith.muli %scan3A_55, %mul3A_140 : i32
        %add3A_142 = arith.constant 3 : i32
        %add3A_143 = arith.addi %mul3A_141, %add3A_142 : i32
        %mul3A_144 = arith.constant 8 : i32
        %mul3A_145 = arith.muli %add3A_143, %mul3A_144 : i32
        %get3A_146 = arith.index_cast %mul3A_145 : i32 to index
        %get3A_147 = arith.constant 0 : index
        %get3A_148 = vector.load %arg3[%get3A_146, %get3A_147] : memref<1024x1280xf32, #tpu.memory_space<vmem>>, vector<8x1280xf32>
        %get3A_149 = arith.index_cast %mul3A_145 : i32 to index
        %get3A_150 = arith.constant 0 : index
        %get3A_151 = vector.load %arg8[%get3A_149, %get3A_150] : memref<1024x1280xf32, #tpu.memory_space<vmem>>, vector<8x1280xf32>
        %gt3A_152 = vector.broadcast %get3A_10 : f32 to vector<8x1280xf32>
        %gt3A_153 = arith.cmpf ogt, %get3A_148, %gt3A_152 : vector<8x1280xf32>
        %jit3A_154 = arith.constant 1.000000e+00 : f32
        %jit3A_155 = arith.constant 0.000000e+00 : f32
        %broadcast_in_dim3A_156 = vector.broadcast %jit3A_154 : f32 to vector<8x1280xf32>
        %broadcast_in_dim3A_157 = vector.broadcast %jit3A_155 : f32 to vector<8x1280xf32>
        %select_n3A_158 = arith.select %gt3A_153, %broadcast_in_dim3A_156, %broadcast_in_dim3A_157 : vector<8x1280xi1>, vector<8x1280xf32>
        %add3A_159 = arith.addf %add3A_131, %select_n3A_158 : vector<8x1280xf32>
        %jit3A_160 = arith.constant 0.000000e+00 : f32
        %broadcast_in_dim3A_161 = vector.broadcast %jit3A_160 : f32 to vector<8x1280xf32>
        %select_n3A_162 = arith.select %gt3A_153, %get3A_148, %broadcast_in_dim3A_161 : vector<8x1280xi1>, vector<8x1280xf32>
        %add3A_163 = arith.addf %add3A_135, %select_n3A_162 : vector<8x1280xf32>
        %jit3A_164 = arith.constant 0.000000e+00 : f32
        %broadcast_in_dim3A_165 = vector.broadcast %jit3A_164 : f32 to vector<8x1280xf32>
        %select_n3A_166 = arith.select %gt3A_153, %get3A_151, %broadcast_in_dim3A_165 : vector<8x1280xi1>, vector<8x1280xf32>
        %add3A_167 = arith.addf %add3A_139, %select_n3A_166 : vector<8x1280xf32>
        %mul3A_168 = arith.constant 8 : i32
        %mul3A_169 = arith.muli %scan3A_55, %mul3A_168 : i32
        %add3A_170 = arith.constant 4 : i32
        %add3A_171 = arith.addi %mul3A_169, %add3A_170 : i32
        %mul3A_172 = arith.constant 8 : i32
        %mul3A_173 = arith.muli %add3A_171, %mul3A_172 : i32
        %get3A_174 = arith.index_cast %mul3A_173 : i32 to index
        %get3A_175 = arith.constant 0 : index
        %get3A_176 = vector.load %arg3[%get3A_174, %get3A_175] : memref<1024x1280xf32, #tpu.memory_space<vmem>>, vector<8x1280xf32>
        %get3A_177 = arith.index_cast %mul3A_173 : i32 to index
        %get3A_178 = arith.constant 0 : index
        %get3A_179 = vector.load %arg8[%get3A_177, %get3A_178] : memref<1024x1280xf32, #tpu.memory_space<vmem>>, vector<8x1280xf32>
        %gt3A_180 = vector.broadcast %get3A_10 : f32 to vector<8x1280xf32>
        %gt3A_181 = arith.cmpf ogt, %get3A_176, %gt3A_180 : vector<8x1280xf32>
        %jit3A_182 = arith.constant 1.000000e+00 : f32
        %jit3A_183 = arith.constant 0.000000e+00 : f32
        %broadcast_in_dim3A_184 = vector.broadcast %jit3A_182 : f32 to vector<8x1280xf32>
        %broadcast_in_dim3A_185 = vector.broadcast %jit3A_183 : f32 to vector<8x1280xf32>
        %select_n3A_186 = arith.select %gt3A_181, %broadcast_in_dim3A_184, %broadcast_in_dim3A_185 : vector<8x1280xi1>, vector<8x1280xf32>
        %add3A_187 = arith.addf %add3A_159, %select_n3A_186 : vector<8x1280xf32>
        %jit3A_188 = arith.constant 0.000000e+00 : f32
        %broadcast_in_dim3A_189 = vector.broadcast %jit3A_188 : f32 to vector<8x1280xf32>
        %select_n3A_190 = arith.select %gt3A_181, %get3A_176, %broadcast_in_dim3A_189 : vector<8x1280xi1>, vector<8x1280xf32>
        %add3A_191 = arith.addf %add3A_163, %select_n3A_190 : vector<8x1280xf32>
        %jit3A_192 = arith.constant 0.000000e+00 : f32
        %broadcast_in_dim3A_193 = vector.broadcast %jit3A_192 : f32 to vector<8x1280xf32>
        %select_n3A_194 = arith.select %gt3A_181, %get3A_179, %broadcast_in_dim3A_193 : vector<8x1280xi1>, vector<8x1280xf32>
        %add3A_195 = arith.addf %add3A_167, %select_n3A_194 : vector<8x1280xf32>
        %mul3A_196 = arith.constant 8 : i32
        %mul3A_197 = arith.muli %scan3A_55, %mul3A_196 : i32
        %add3A_198 = arith.constant 5 : i32
        %add3A_199 = arith.addi %mul3A_197, %add3A_198 : i32
        %mul3A_200 = arith.constant 8 : i32
        %mul3A_201 = arith.muli %add3A_199, %mul3A_200 : i32
        %get3A_202 = arith.index_cast %mul3A_201 : i32 to index
        %get3A_203 = arith.constant 0 : index
        %get3A_204 = vector.load %arg3[%get3A_202, %get3A_203] : memref<1024x1280xf32, #tpu.memory_space<vmem>>, vector<8x1280xf32>
        %get3A_205 = arith.index_cast %mul3A_201 : i32 to index
        %get3A_206 = arith.constant 0 : index
        %get3A_207 = vector.load %arg8[%get3A_205, %get3A_206] : memref<1024x1280xf32, #tpu.memory_space<vmem>>, vector<8x1280xf32>
        %gt3A_208 = vector.broadcast %get3A_10 : f32 to vector<8x1280xf32>
        %gt3A_209 = arith.cmpf ogt, %get3A_204, %gt3A_208 : vector<8x1280xf32>
        %jit3A_210 = arith.constant 1.000000e+00 : f32
        %jit3A_211 = arith.constant 0.000000e+00 : f32
        %broadcast_in_dim3A_212 = vector.broadcast %jit3A_210 : f32 to vector<8x1280xf32>
        %broadcast_in_dim3A_213 = vector.broadcast %jit3A_211 : f32 to vector<8x1280xf32>
        %select_n3A_214 = arith.select %gt3A_209, %broadcast_in_dim3A_212, %broadcast_in_dim3A_213 : vector<8x1280xi1>, vector<8x1280xf32>
        %add3A_215 = arith.addf %add3A_187, %select_n3A_214 : vector<8x1280xf32>
        %jit3A_216 = arith.constant 0.000000e+00 : f32
        %broadcast_in_dim3A_217 = vector.broadcast %jit3A_216 : f32 to vector<8x1280xf32>
        %select_n3A_218 = arith.select %gt3A_209, %get3A_204, %broadcast_in_dim3A_217 : vector<8x1280xi1>, vector<8x1280xf32>
        %add3A_219 = arith.addf %add3A_191, %select_n3A_218 : vector<8x1280xf32>
        %jit3A_220 = arith.constant 0.000000e+00 : f32
        %broadcast_in_dim3A_221 = vector.broadcast %jit3A_220 : f32 to vector<8x1280xf32>
        %select_n3A_222 = arith.select %gt3A_209, %get3A_207, %broadcast_in_dim3A_221 : vector<8x1280xi1>, vector<8x1280xf32>
        %add3A_223 = arith.addf %add3A_195, %select_n3A_222 : vector<8x1280xf32>
        %mul3A_224 = arith.constant 8 : i32
        %mul3A_225 = arith.muli %scan3A_55, %mul3A_224 : i32
        %add3A_226 = arith.constant 6 : i32
        %add3A_227 = arith.addi %mul3A_225, %add3A_226 : i32
        %mul3A_228 = arith.constant 8 : i32
        %mul3A_229 = arith.muli %add3A_227, %mul3A_228 : i32
        %get3A_230 = arith.index_cast %mul3A_229 : i32 to index
        %get3A_231 = arith.constant 0 : index
        %get3A_232 = vector.load %arg3[%get3A_230, %get3A_231] : memref<1024x1280xf32, #tpu.memory_space<vmem>>, vector<8x1280xf32>
        %get3A_233 = arith.index_cast %mul3A_229 : i32 to index
        %get3A_234 = arith.constant 0 : index
        %get3A_235 = vector.load %arg8[%get3A_233, %get3A_234] : memref<1024x1280xf32, #tpu.memory_space<vmem>>, vector<8x1280xf32>
        %gt3A_236 = vector.broadcast %get3A_10 : f32 to vector<8x1280xf32>
        %gt3A_237 = arith.cmpf ogt, %get3A_232, %gt3A_236 : vector<8x1280xf32>
        %jit3A_238 = arith.constant 1.000000e+00 : f32
        %jit3A_239 = arith.constant 0.000000e+00 : f32
        %broadcast_in_dim3A_240 = vector.broadcast %jit3A_238 : f32 to vector<8x1280xf32>
        %broadcast_in_dim3A_241 = vector.broadcast %jit3A_239 : f32 to vector<8x1280xf32>
        %select_n3A_242 = arith.select %gt3A_237, %broadcast_in_dim3A_240, %broadcast_in_dim3A_241 : vector<8x1280xi1>, vector<8x1280xf32>
        %add3A_243 = arith.addf %add3A_215, %select_n3A_242 : vector<8x1280xf32>
        %jit3A_244 = arith.constant 0.000000e+00 : f32
        %broadcast_in_dim3A_245 = vector.broadcast %jit3A_244 : f32 to vector<8x1280xf32>
        %select_n3A_246 = arith.select %gt3A_237, %get3A_232, %broadcast_in_dim3A_245 : vector<8x1280xi1>, vector<8x1280xf32>
        %add3A_247 = arith.addf %add3A_219, %select_n3A_246 : vector<8x1280xf32>
        %jit3A_248 = arith.constant 0.000000e+00 : f32
        %broadcast_in_dim3A_249 = vector.broadcast %jit3A_248 : f32 to vector<8x1280xf32>
        %select_n3A_250 = arith.select %gt3A_237, %get3A_235, %broadcast_in_dim3A_249 : vector<8x1280xi1>, vector<8x1280xf32>
        %add3A_251 = arith.addf %add3A_223, %select_n3A_250 : vector<8x1280xf32>
        %mul3A_252 = arith.constant 8 : i32
        %mul3A_253 = arith.muli %scan3A_55, %mul3A_252 : i32
        %add3A_254 = arith.constant 7 : i32
        %add3A_255 = arith.addi %mul3A_253, %add3A_254 : i32
        %mul3A_256 = arith.constant 8 : i32
        %mul3A_257 = arith.muli %add3A_255, %mul3A_256 : i32
        %get3A_258 = arith.index_cast %mul3A_257 : i32 to index
        %get3A_259 = arith.constant 0 : index
        %get3A_260 = vector.load %arg3[%get3A_258, %get3A_259] : memref<1024x1280xf32, #tpu.memory_space<vmem>>, vector<8x1280xf32>
        %get3A_261 = arith.index_cast %mul3A_257 : i32 to index
        %get3A_262 = arith.constant 0 : index
        %get3A_263 = vector.load %arg8[%get3A_261, %get3A_262] : memref<1024x1280xf32, #tpu.memory_space<vmem>>, vector<8x1280xf32>
        %gt3A_264 = vector.broadcast %get3A_10 : f32 to vector<8x1280xf32>
        %gt3A_265 = arith.cmpf ogt, %get3A_260, %gt3A_264 : vector<8x1280xf32>
        %jit3A_266 = arith.constant 1.000000e+00 : f32
        %jit3A_267 = arith.constant 0.000000e+00 : f32
        %broadcast_in_dim3A_268 = vector.broadcast %jit3A_266 : f32 to vector<8x1280xf32>
        %broadcast_in_dim3A_269 = vector.broadcast %jit3A_267 : f32 to vector<8x1280xf32>
        %select_n3A_270 = arith.select %gt3A_265, %broadcast_in_dim3A_268, %broadcast_in_dim3A_269 : vector<8x1280xi1>, vector<8x1280xf32>
        %add3A_271 = arith.addf %add3A_243, %select_n3A_270 : vector<8x1280xf32>
        %jit3A_272 = arith.constant 0.000000e+00 : f32
        %broadcast_in_dim3A_273 = vector.broadcast %jit3A_272 : f32 to vector<8x1280xf32>
        %select_n3A_274 = arith.select %gt3A_265, %get3A_260, %broadcast_in_dim3A_273 : vector<8x1280xi1>, vector<8x1280xf32>
        %add3A_275 = arith.addf %add3A_247, %select_n3A_274 : vector<8x1280xf32>
        %jit3A_276 = arith.constant 0.000000e+00 : f32
        %broadcast_in_dim3A_277 = vector.broadcast %jit3A_276 : f32 to vector<8x1280xf32>
        %select_n3A_278 = arith.select %gt3A_265, %get3A_263, %broadcast_in_dim3A_277 : vector<8x1280xi1>, vector<8x1280xf32>
        %add3A_279 = arith.addf %add3A_251, %select_n3A_278 : vector<8x1280xf32>
        scf.yield %add3A_271, %add3A_275, %add3A_279 : vector<8x1280xf32>, vector<8x1280xf32>, vector<8x1280xf32>
      }
      %scan3A_27 = arith.constant 16 : i32
      %get3A_28 = arith.index_cast %arg1 : i32 to index
      %get3A_29 = arith.constant 0 : index
      %get3A_30 = vector.load %arg5[%get3A_28, %get3A_29] : memref<11x1280xf32, #tpu.memory_space<vmem>>, vector<1x1280xf32>
      %reduce_sum3A = arith.constant dense<0.000000e+00> : vector<1280xf32>
      %reduce_sum3A_31 = vector.multi_reduction <add>, %scan3A_26#0, %reduce_sum3A [0] : vector<8x1280xf32> to vector<1280xf32>
      %broadcast_in_dim3A_32 = vector.shape_cast %reduce_sum3A_31 : vector<1280xf32> to vector<1x1280xf32>
      %add3A = arith.addf %get3A_30, %broadcast_in_dim3A_32 : vector<1x1280xf32>
      %swap3A = arith.index_cast %arg1 : i32 to index
      %swap3A_33 = arith.constant 0 : index
      %swap3A_34 = vector.load %arg5[%swap3A, %swap3A_33] : memref<11x1280xf32, #tpu.memory_space<vmem>>, vector<1x1280xf32>
      tpu.vector_store %arg5[%swap3A, %swap3A_33], %add3A {strides = array<i32>} : memref<11x1280xf32, #tpu.memory_space<vmem>>, vector<1x1280xf32>,
      %get3A_35 = arith.index_cast %arg1 : i32 to index
      %get3A_36 = arith.constant 0 : index
      %get3A_37 = vector.load %arg6[%get3A_35, %get3A_36] : memref<11x1280xf32, #tpu.memory_space<vmem>>, vector<1x1280xf32>
      %reduce_sum3A_38 = arith.constant dense<0.000000e+00> : vector<1280xf32>
      %reduce_sum3A_39 = vector.multi_reduction <add>, %scan3A_26#1, %reduce_sum3A_38 [0] : vector<8x1280xf32> to vector<1280xf32>
      %broadcast_in_dim3A_40 = vector.shape_cast %reduce_sum3A_39 : vector<1280xf32> to vector<1x1280xf32>
      %add3A_41 = arith.addf %get3A_37, %broadcast_in_dim3A_40 : vector<1x1280xf32>
      %swap3A_42 = arith.index_cast %arg1 : i32 to index
      %swap3A_43 = arith.constant 0 : index
      %swap3A_44 = vector.load %arg6[%swap3A_42, %swap3A_43] : memref<11x1280xf32, #tpu.memory_space<vmem>>, vector<1x1280xf32>
      tpu.vector_store %arg6[%swap3A_42, %swap3A_43], %add3A_41 {strides = array<i32>} : memref<11x1280xf32, #tpu.memory_space<vmem>>, vector<1x1280xf32>,
      %get3A_45 = arith.index_cast %arg1 : i32 to index
      %get3A_46 = arith.constant 0 : index
      %get3A_47 = vector.load %arg7[%get3A_45, %get3A_46] : memref<11x1280xf32, #tpu.memory_space<vmem>>, vector<1x1280xf32>
      %reduce_sum3A_48 = arith.constant dense<0.000000e+00> : vector<1280xf32>
      %reduce_sum3A_49 = vector.multi_reduction <add>, %scan3A_26#2, %reduce_sum3A_48 [0] : vector<8x1280xf32> to vector<1280xf32>
      %broadcast_in_dim3A_50 = vector.shape_cast %reduce_sum3A_49 : vector<1280xf32> to vector<1x1280xf32>
      %add3A_51 = arith.addf %get3A_47, %broadcast_in_dim3A_50 : vector<1x1280xf32>
      %swap3A_52 = arith.index_cast %arg1 : i32 to index
      %swap3A_53 = arith.constant 0 : index
      %swap3A_54 = vector.load %arg7[%swap3A_52, %swap3A_53] : memref<11x1280xf32, #tpu.memory_space<vmem>>, vector<1x1280xf32>
      tpu.vector_store %arg7[%swap3A_52, %swap3A_53], %add3A_51 {strides = array<i32>} : memref<11x1280xf32, #tpu.memory_space<vmem>>, vector<1x1280xf32>,
    } else {
    }
    %convert_element_type3A_20 = arith.extui %eq3A_15 : i1 to i32
    %cond3A_21 = arith.constant 0 : i32
    %cond3A_22 = arith.cmpi ne, %convert_element_type3A_20, %cond3A_21 : i32
    scf.if %cond3A_22 {
      %scan3A = arith.constant 0 : i32
      %scan3A_23 = arith.constant 16 : i32
      %scan3A_24 = arith.addi %scan3A, %scan3A_23 : i32
      %scan3A_25 = arith.constant 1 : i32
      %scan3A_26:3 = scf.for %scan3A_55 = %scan3A to %scan3A_24 step %scan3A_25 iter_args(%scan3A_56 = %broadcast_in_dim3A_13, %scan3A_57 = %broadcast_in_dim3A_13, %scan3A_58 = %broadcast_in_dim3A_13) -> (vector<8x1280xf32>, vector<8x1280xf32>, vector<8x1280xf32>)  : i32 {
        %mul3A_59 = arith.constant 8 : i32
        %mul3A_60 = arith.muli %scan3A_55, %mul3A_59 : i32
        %add3A_61 = arith.constant 0 : i32
        %add3A_62 = arith.addi %mul3A_60, %add3A_61 : i32
        %mul3A_63 = arith.constant 8 : i32
        %mul3A_64 = arith.muli %add3A_62, %mul3A_63 : i32
        %get3A_65 = arith.index_cast %mul3A_64 : i32 to index
        %get3A_66 = arith.constant 0 : index
        %get3A_67 = vector.load %arg3[%get3A_65, %get3A_66] : memref<1024x1280xf32, #tpu.memory_space<vmem>>, vector<8x1280xf32>
        %get3A_68 = arith.index_cast %mul3A_64 : i32 to index
        %get3A_69 = arith.constant 0 : index
        %get3A_70 = vector.load %arg8[%get3A_68, %get3A_69] : memref<1024x1280xf32, #tpu.memory_space<vmem>>, vector<8x1280xf32>
        %sub3A_71 = arith.subi %sub3A_12, %mul3A_64 : i32
        %lt3A = vector.broadcast %sub3A_71 : i32 to vector<8x1280xi32>
        %lt3A_72 = arith.cmpi slt, %iota3A, %lt3A : vector<8x1280xi32>
        %jit3A = arith.constant 0.000000e+00 : f32
        %broadcast_in_dim3A_73 = vector.broadcast %jit3A : f32 to vector<8x1280xf32>
        %select_n3A = arith.select %lt3A_72, %get3A_67, %broadcast_in_dim3A_73 : vector<8x1280xi1>, vector<8x1280xf32>
        %gt3A = vector.broadcast %get3A_10 : f32 to vector<8x1280xf32>
        %gt3A_74 = arith.cmpf ogt, %select_n3A, %gt3A : vector<8x1280xf32>
        %jit3A_75 = arith.constant 1.000000e+00 : f32
        %jit3A_76 = arith.constant 0.000000e+00 : f32
        %broadcast_in_dim3A_77 = vector.broadcast %jit3A_75 : f32 to vector<8x1280xf32>
        %broadcast_in_dim3A_78 = vector.broadcast %jit3A_76 : f32 to vector<8x1280xf32>
        %select_n3A_79 = arith.select %gt3A_74, %broadcast_in_dim3A_77, %broadcast_in_dim3A_78 : vector<8x1280xi1>, vector<8x1280xf32>
        %add3A_80 = arith.addf %scan3A_56, %select_n3A_79 : vector<8x1280xf32>
        %jit3A_81 = arith.constant 0.000000e+00 : f32
        %broadcast_in_dim3A_82 = vector.broadcast %jit3A_81 : f32 to vector<8x1280xf32>
        %select_n3A_83 = arith.select %gt3A_74, %select_n3A, %broadcast_in_dim3A_82 : vector<8x1280xi1>, vector<8x1280xf32>
        %add3A_84 = arith.addf %scan3A_57, %select_n3A_83 : vector<8x1280xf32>
        %jit3A_85 = arith.constant 0.000000e+00 : f32
        %broadcast_in_dim3A_86 = vector.broadcast %jit3A_85 : f32 to vector<8x1280xf32>
        %select_n3A_87 = arith.select %gt3A_74, %get3A_70, %broadcast_in_dim3A_86 : vector<8x1280xi1>, vector<8x1280xf32>
        %add3A_88 = arith.addf %scan3A_58, %select_n3A_87 : vector<8x1280xf32>
        %mul3A_89 = arith.constant 8 : i32
        %mul3A_90 = arith.muli %scan3A_55, %mul3A_89 : i32
        %add3A_91 = arith.constant 1 : i32
        %add3A_92 = arith.addi %mul3A_90, %add3A_91 : i32
        %mul3A_93 = arith.constant 8 : i32
        %mul3A_94 = arith.muli %add3A_92, %mul3A_93 : i32
        %get3A_95 = arith.index_cast %mul3A_94 : i32 to index
        %get3A_96 = arith.constant 0 : index
        %get3A_97 = vector.load %arg3[%get3A_95, %get3A_96] : memref<1024x1280xf32, #tpu.memory_space<vmem>>, vector<8x1280xf32>
        %get3A_98 = arith.index_cast %mul3A_94 : i32 to index
        %get3A_99 = arith.constant 0 : index
        %get3A_100 = vector.load %arg8[%get3A_98, %get3A_99] : memref<1024x1280xf32, #tpu.memory_space<vmem>>, vector<8x1280xf32>
        %sub3A_101 = arith.subi %sub3A_12, %mul3A_94 : i32
        %lt3A_102 = vector.broadcast %sub3A_101 : i32 to vector<8x1280xi32>
        %lt3A_103 = arith.cmpi slt, %iota3A, %lt3A_102 : vector<8x1280xi32>
        %jit3A_104 = arith.constant 0.000000e+00 : f32
        %broadcast_in_dim3A_105 = vector.broadcast %jit3A_104 : f32 to vector<8x1280xf32>
        %select_n3A_106 = arith.select %lt3A_103, %get3A_97, %broadcast_in_dim3A_105 : vector<8x1280xi1>, vector<8x1280xf32>
        %gt3A_107 = vector.broadcast %get3A_10 : f32 to vector<8x1280xf32>
        %gt3A_108 = arith.cmpf ogt, %select_n3A_106, %gt3A_107 : vector<8x1280xf32>
        %jit3A_109 = arith.constant 1.000000e+00 : f32
        %jit3A_110 = arith.constant 0.000000e+00 : f32
        %broadcast_in_dim3A_111 = vector.broadcast %jit3A_109 : f32 to vector<8x1280xf32>
        %broadcast_in_dim3A_112 = vector.broadcast %jit3A_110 : f32 to vector<8x1280xf32>
        %select_n3A_113 = arith.select %gt3A_108, %broadcast_in_dim3A_111, %broadcast_in_dim3A_112 : vector<8x1280xi1>, vector<8x1280xf32>
        %add3A_114 = arith.addf %add3A_80, %select_n3A_113 : vector<8x1280xf32>
        %jit3A_115 = arith.constant 0.000000e+00 : f32
        %broadcast_in_dim3A_116 = vector.broadcast %jit3A_115 : f32 to vector<8x1280xf32>
        %select_n3A_117 = arith.select %gt3A_108, %select_n3A_106, %broadcast_in_dim3A_116 : vector<8x1280xi1>, vector<8x1280xf32>
        %add3A_118 = arith.addf %add3A_84, %select_n3A_117 : vector<8x1280xf32>
        %jit3A_119 = arith.constant 0.000000e+00 : f32
        %broadcast_in_dim3A_120 = vector.broadcast %jit3A_119 : f32 to vector<8x1280xf32>
        %select_n3A_121 = arith.select %gt3A_108, %get3A_100, %broadcast_in_dim3A_120 : vector<8x1280xi1>, vector<8x1280xf32>
        %add3A_122 = arith.addf %add3A_88, %select_n3A_121 : vector<8x1280xf32>
        %mul3A_123 = arith.constant 8 : i32
        %mul3A_124 = arith.muli %scan3A_55, %mul3A_123 : i32
        %add3A_125 = arith.constant 2 : i32
        %add3A_126 = arith.addi %mul3A_124, %add3A_125 : i32
        %mul3A_127 = arith.constant 8 : i32
        %mul3A_128 = arith.muli %add3A_126, %mul3A_127 : i32
        %get3A_129 = arith.index_cast %mul3A_128 : i32 to index
        %get3A_130 = arith.constant 0 : index
        %get3A_131 = vector.load %arg3[%get3A_129, %get3A_130] : memref<1024x1280xf32, #tpu.memory_space<vmem>>, vector<8x1280xf32>
        %get3A_132 = arith.index_cast %mul3A_128 : i32 to index
        %get3A_133 = arith.constant 0 : index
        %get3A_134 = vector.load %arg8[%get3A_132, %get3A_133] : memref<1024x1280xf32, #tpu.memory_space<vmem>>, vector<8x1280xf32>
        %sub3A_135 = arith.subi %sub3A_12, %mul3A_128 : i32
        %lt3A_136 = vector.broadcast %sub3A_135 : i32 to vector<8x1280xi32>
        %lt3A_137 = arith.cmpi slt, %iota3A, %lt3A_136 : vector<8x1280xi32>
        %jit3A_138 = arith.constant 0.000000e+00 : f32
        %broadcast_in_dim3A_139 = vector.broadcast %jit3A_138 : f32 to vector<8x1280xf32>
        %select_n3A_140 = arith.select %lt3A_137, %get3A_131, %broadcast_in_dim3A_139 : vector<8x1280xi1>, vector<8x1280xf32>
        %gt3A_141 = vector.broadcast %get3A_10 : f32 to vector<8x1280xf32>
        %gt3A_142 = arith.cmpf ogt, %select_n3A_140, %gt3A_141 : vector<8x1280xf32>
        %jit3A_143 = arith.constant 1.000000e+00 : f32
        %jit3A_144 = arith.constant 0.000000e+00 : f32
        %broadcast_in_dim3A_145 = vector.broadcast %jit3A_143 : f32 to vector<8x1280xf32>
        %broadcast_in_dim3A_146 = vector.broadcast %jit3A_144 : f32 to vector<8x1280xf32>
        %select_n3A_147 = arith.select %gt3A_142, %broadcast_in_dim3A_145, %broadcast_in_dim3A_146 : vector<8x1280xi1>, vector<8x1280xf32>
        %add3A_148 = arith.addf %add3A_114, %select_n3A_147 : vector<8x1280xf32>
        %jit3A_149 = arith.constant 0.000000e+00 : f32
        %broadcast_in_dim3A_150 = vector.broadcast %jit3A_149 : f32 to vector<8x1280xf32>
        %select_n3A_151 = arith.select %gt3A_142, %select_n3A_140, %broadcast_in_dim3A_150 : vector<8x1280xi1>, vector<8x1280xf32>
        %add3A_152 = arith.addf %add3A_118, %select_n3A_151 : vector<8x1280xf32>
        %jit3A_153 = arith.constant 0.000000e+00 : f32
        %broadcast_in_dim3A_154 = vector.broadcast %jit3A_153 : f32 to vector<8x1280xf32>
        %select_n3A_155 = arith.select %gt3A_142, %get3A_134, %broadcast_in_dim3A_154 : vector<8x1280xi1>, vector<8x1280xf32>
        %add3A_156 = arith.addf %add3A_122, %select_n3A_155 : vector<8x1280xf32>
        %mul3A_157 = arith.constant 8 : i32
        %mul3A_158 = arith.muli %scan3A_55, %mul3A_157 : i32
        %add3A_159 = arith.constant 3 : i32
        %add3A_160 = arith.addi %mul3A_158, %add3A_159 : i32
        %mul3A_161 = arith.constant 8 : i32
        %mul3A_162 = arith.muli %add3A_160, %mul3A_161 : i32
        %get3A_163 = arith.index_cast %mul3A_162 : i32 to index
        %get3A_164 = arith.constant 0 : index
        %get3A_165 = vector.load %arg3[%get3A_163, %get3A_164] : memref<1024x1280xf32, #tpu.memory_space<vmem>>, vector<8x1280xf32>
        %get3A_166 = arith.index_cast %mul3A_162 : i32 to index
        %get3A_167 = arith.constant 0 : index
        %get3A_168 = vector.load %arg8[%get3A_166, %get3A_167] : memref<1024x1280xf32, #tpu.memory_space<vmem>>, vector<8x1280xf32>
        %sub3A_169 = arith.subi %sub3A_12, %mul3A_162 : i32
        %lt3A_170 = vector.broadcast %sub3A_169 : i32 to vector<8x1280xi32>
        %lt3A_171 = arith.cmpi slt, %iota3A, %lt3A_170 : vector<8x1280xi32>
        %jit3A_172 = arith.constant 0.000000e+00 : f32
        %broadcast_in_dim3A_173 = vector.broadcast %jit3A_172 : f32 to vector<8x1280xf32>
        %select_n3A_174 = arith.select %lt3A_171, %get3A_165, %broadcast_in_dim3A_173 : vector<8x1280xi1>, vector<8x1280xf32>
        %gt3A_175 = vector.broadcast %get3A_10 : f32 to vector<8x1280xf32>
        %gt3A_176 = arith.cmpf ogt, %select_n3A_174, %gt3A_175 : vector<8x1280xf32>
        %jit3A_177 = arith.constant 1.000000e+00 : f32
        %jit3A_178 = arith.constant 0.000000e+00 : f32
        %broadcast_in_dim3A_179 = vector.broadcast %jit3A_177 : f32 to vector<8x1280xf32>
        %broadcast_in_dim3A_180 = vector.broadcast %jit3A_178 : f32 to vector<8x1280xf32>
        %select_n3A_181 = arith.select %gt3A_176, %broadcast_in_dim3A_179, %broadcast_in_dim3A_180 : vector<8x1280xi1>, vector<8x1280xf32>
        %add3A_182 = arith.addf %add3A_148, %select_n3A_181 : vector<8x1280xf32>
        %jit3A_183 = arith.constant 0.000000e+00 : f32
        %broadcast_in_dim3A_184 = vector.broadcast %jit3A_183 : f32 to vector<8x1280xf32>
        %select_n3A_185 = arith.select %gt3A_176, %select_n3A_174, %broadcast_in_dim3A_184 : vector<8x1280xi1>, vector<8x1280xf32>
        %add3A_186 = arith.addf %add3A_152, %select_n3A_185 : vector<8x1280xf32>
        %jit3A_187 = arith.constant 0.000000e+00 : f32
        %broadcast_in_dim3A_188 = vector.broadcast %jit3A_187 : f32 to vector<8x1280xf32>
        %select_n3A_189 = arith.select %gt3A_176, %get3A_168, %broadcast_in_dim3A_188 : vector<8x1280xi1>, vector<8x1280xf32>
        %add3A_190 = arith.addf %add3A_156, %select_n3A_189 : vector<8x1280xf32>
        %mul3A_191 = arith.constant 8 : i32
        %mul3A_192 = arith.muli %scan3A_55, %mul3A_191 : i32
        %add3A_193 = arith.constant 4 : i32
        %add3A_194 = arith.addi %mul3A_192, %add3A_193 : i32
        %mul3A_195 = arith.constant 8 : i32
        %mul3A_196 = arith.muli %add3A_194, %mul3A_195 : i32
        %get3A_197 = arith.index_cast %mul3A_196 : i32 to index
        %get3A_198 = arith.constant 0 : index
        %get3A_199 = vector.load %arg3[%get3A_197, %get3A_198] : memref<1024x1280xf32, #tpu.memory_space<vmem>>, vector<8x1280xf32>
        %get3A_200 = arith.index_cast %mul3A_196 : i32 to index
        %get3A_201 = arith.constant 0 : index
        %get3A_202 = vector.load %arg8[%get3A_200, %get3A_201] : memref<1024x1280xf32, #tpu.memory_space<vmem>>, vector<8x1280xf32>
        %sub3A_203 = arith.subi %sub3A_12, %mul3A_196 : i32
        %lt3A_204 = vector.broadcast %sub3A_203 : i32 to vector<8x1280xi32>
        %lt3A_205 = arith.cmpi slt, %iota3A, %lt3A_204 : vector<8x1280xi32>
        %jit3A_206 = arith.constant 0.000000e+00 : f32
        %broadcast_in_dim3A_207 = vector.broadcast %jit3A_206 : f32 to vector<8x1280xf32>
        %select_n3A_208 = arith.select %lt3A_205, %get3A_199, %broadcast_in_dim3A_207 : vector<8x1280xi1>, vector<8x1280xf32>
        %gt3A_209 = vector.broadcast %get3A_10 : f32 to vector<8x1280xf32>
        %gt3A_210 = arith.cmpf ogt, %select_n3A_208, %gt3A_209 : vector<8x1280xf32>
        %jit3A_211 = arith.constant 1.000000e+00 : f32
        %jit3A_212 = arith.constant 0.000000e+00 : f32
        %broadcast_in_dim3A_213 = vector.broadcast %jit3A_211 : f32 to vector<8x1280xf32>
        %broadcast_in_dim3A_214 = vector.broadcast %jit3A_212 : f32 to vector<8x1280xf32>
        %select_n3A_215 = arith.select %gt3A_210, %broadcast_in_dim3A_213, %broadcast_in_dim3A_214 : vector<8x1280xi1>, vector<8x1280xf32>
        %add3A_216 = arith.addf %add3A_182, %select_n3A_215 : vector<8x1280xf32>
        %jit3A_217 = arith.constant 0.000000e+00 : f32
        %broadcast_in_dim3A_218 = vector.broadcast %jit3A_217 : f32 to vector<8x1280xf32>
        %select_n3A_219 = arith.select %gt3A_210, %select_n3A_208, %broadcast_in_dim3A_218 : vector<8x1280xi1>, vector<8x1280xf32>
        %add3A_220 = arith.addf %add3A_186, %select_n3A_219 : vector<8x1280xf32>
        %jit3A_221 = arith.constant 0.000000e+00 : f32
        %broadcast_in_dim3A_222 = vector.broadcast %jit3A_221 : f32 to vector<8x1280xf32>
        %select_n3A_223 = arith.select %gt3A_210, %get3A_202, %broadcast_in_dim3A_222 : vector<8x1280xi1>, vector<8x1280xf32>
        %add3A_224 = arith.addf %add3A_190, %select_n3A_223 : vector<8x1280xf32>
        %mul3A_225 = arith.constant 8 : i32
        %mul3A_226 = arith.muli %scan3A_55, %mul3A_225 : i32
        %add3A_227 = arith.constant 5 : i32
        %add3A_228 = arith.addi %mul3A_226, %add3A_227 : i32
        %mul3A_229 = arith.constant 8 : i32
        %mul3A_230 = arith.muli %add3A_228, %mul3A_229 : i32
        %get3A_231 = arith.index_cast %mul3A_230 : i32 to index
        %get3A_232 = arith.constant 0 : index
        %get3A_233 = vector.load %arg3[%get3A_231, %get3A_232] : memref<1024x1280xf32, #tpu.memory_space<vmem>>, vector<8x1280xf32>
        %get3A_234 = arith.index_cast %mul3A_230 : i32 to index
        %get3A_235 = arith.constant 0 : index
        %get3A_236 = vector.load %arg8[%get3A_234, %get3A_235] : memref<1024x1280xf32, #tpu.memory_space<vmem>>, vector<8x1280xf32>
        %sub3A_237 = arith.subi %sub3A_12, %mul3A_230 : i32
        %lt3A_238 = vector.broadcast %sub3A_237 : i32 to vector<8x1280xi32>
        %lt3A_239 = arith.cmpi slt, %iota3A, %lt3A_238 : vector<8x1280xi32>
        %jit3A_240 = arith.constant 0.000000e+00 : f32
        %broadcast_in_dim3A_241 = vector.broadcast %jit3A_240 : f32 to vector<8x1280xf32>
        %select_n3A_242 = arith.select %lt3A_239, %get3A_233, %broadcast_in_dim3A_241 : vector<8x1280xi1>, vector<8x1280xf32>
        %gt3A_243 = vector.broadcast %get3A_10 : f32 to vector<8x1280xf32>
        %gt3A_244 = arith.cmpf ogt, %select_n3A_242, %gt3A_243 : vector<8x1280xf32>
        %jit3A_245 = arith.constant 1.000000e+00 : f32
        %jit3A_246 = arith.constant 0.000000e+00 : f32
        %broadcast_in_dim3A_247 = vector.broadcast %jit3A_245 : f32 to vector<8x1280xf32>
        %broadcast_in_dim3A_248 = vector.broadcast %jit3A_246 : f32 to vector<8x1280xf32>
        %select_n3A_249 = arith.select %gt3A_244, %broadcast_in_dim3A_247, %broadcast_in_dim3A_248 : vector<8x1280xi1>, vector<8x1280xf32>
        %add3A_250 = arith.addf %add3A_216, %select_n3A_249 : vector<8x1280xf32>
        %jit3A_251 = arith.constant 0.000000e+00 : f32
        %broadcast_in_dim3A_252 = vector.broadcast %jit3A_251 : f32 to vector<8x1280xf32>
        %select_n3A_253 = arith.select %gt3A_244, %select_n3A_242, %broadcast_in_dim3A_252 : vector<8x1280xi1>, vector<8x1280xf32>
        %add3A_254 = arith.addf %add3A_220, %select_n3A_253 : vector<8x1280xf32>
        %jit3A_255 = arith.constant 0.000000e+00 : f32
        %broadcast_in_dim3A_256 = vector.broadcast %jit3A_255 : f32 to vector<8x1280xf32>
        %select_n3A_257 = arith.select %gt3A_244, %get3A_236, %broadcast_in_dim3A_256 : vector<8x1280xi1>, vector<8x1280xf32>
        %add3A_258 = arith.addf %add3A_224, %select_n3A_257 : vector<8x1280xf32>
        %mul3A_259 = arith.constant 8 : i32
        %mul3A_260 = arith.muli %scan3A_55, %mul3A_259 : i32
        %add3A_261 = arith.constant 6 : i32
        %add3A_262 = arith.addi %mul3A_260, %add3A_261 : i32
        %mul3A_263 = arith.constant 8 : i32
        %mul3A_264 = arith.muli %add3A_262, %mul3A_263 : i32
        %get3A_265 = arith.index_cast %mul3A_264 : i32 to index
        %get3A_266 = arith.constant 0 : index
        %get3A_267 = vector.load %arg3[%get3A_265, %get3A_266] : memref<1024x1280xf32, #tpu.memory_space<vmem>>, vector<8x1280xf32>
        %get3A_268 = arith.index_cast %mul3A_264 : i32 to index
        %get3A_269 = arith.constant 0 : index
        %get3A_270 = vector.load %arg8[%get3A_268, %get3A_269] : memref<1024x1280xf32, #tpu.memory_space<vmem>>, vector<8x1280xf32>
        %sub3A_271 = arith.subi %sub3A_12, %mul3A_264 : i32
        %lt3A_272 = vector.broadcast %sub3A_271 : i32 to vector<8x1280xi32>
        %lt3A_273 = arith.cmpi slt, %iota3A, %lt3A_272 : vector<8x1280xi32>
        %jit3A_274 = arith.constant 0.000000e+00 : f32
        %broadcast_in_dim3A_275 = vector.broadcast %jit3A_274 : f32 to vector<8x1280xf32>
        %select_n3A_276 = arith.select %lt3A_273, %get3A_267, %broadcast_in_dim3A_275 : vector<8x1280xi1>, vector<8x1280xf32>
        %gt3A_277 = vector.broadcast %get3A_10 : f32 to vector<8x1280xf32>
        %gt3A_278 = arith.cmpf ogt, %select_n3A_276, %gt3A_277 : vector<8x1280xf32>
        %jit3A_279 = arith.constant 1.000000e+00 : f32
        %jit3A_280 = arith.constant 0.000000e+00 : f32
        %broadcast_in_dim3A_281 = vector.broadcast %jit3A_279 : f32 to vector<8x1280xf32>
        %broadcast_in_dim3A_282 = vector.broadcast %jit3A_280 : f32 to vector<8x1280xf32>
        %select_n3A_283 = arith.select %gt3A_278, %broadcast_in_dim3A_281, %broadcast_in_dim3A_282 : vector<8x1280xi1>, vector<8x1280xf32>
        %add3A_284 = arith.addf %add3A_250, %select_n3A_283 : vector<8x1280xf32>
        %jit3A_285 = arith.constant 0.000000e+00 : f32
        %broadcast_in_dim3A_286 = vector.broadcast %jit3A_285 : f32 to vector<8x1280xf32>
        %select_n3A_287 = arith.select %gt3A_278, %select_n3A_276, %broadcast_in_dim3A_286 : vector<8x1280xi1>, vector<8x1280xf32>
        %add3A_288 = arith.addf %add3A_254, %select_n3A_287 : vector<8x1280xf32>
        %jit3A_289 = arith.constant 0.000000e+00 : f32
        %broadcast_in_dim3A_290 = vector.broadcast %jit3A_289 : f32 to vector<8x1280xf32>
        %select_n3A_291 = arith.select %gt3A_278, %get3A_270, %broadcast_in_dim3A_290 : vector<8x1280xi1>, vector<8x1280xf32>
        %add3A_292 = arith.addf %add3A_258, %select_n3A_291 : vector<8x1280xf32>
        %mul3A_293 = arith.constant 8 : i32
        %mul3A_294 = arith.muli %scan3A_55, %mul3A_293 : i32
        %add3A_295 = arith.constant 7 : i32
        %add3A_296 = arith.addi %mul3A_294, %add3A_295 : i32
        %mul3A_297 = arith.constant 8 : i32
        %mul3A_298 = arith.muli %add3A_296, %mul3A_297 : i32
        %get3A_299 = arith.index_cast %mul3A_298 : i32 to index
        %get3A_300 = arith.constant 0 : index
        %get3A_301 = vector.load %arg3[%get3A_299, %get3A_300] : memref<1024x1280xf32, #tpu.memory_space<vmem>>, vector<8x1280xf32>
        %get3A_302 = arith.index_cast %mul3A_298 : i32 to index
        %get3A_303 = arith.constant 0 : index
        %get3A_304 = vector.load %arg8[%get3A_302, %get3A_303] : memref<1024x1280xf32, #tpu.memory_space<vmem>>, vector<8x1280xf32>
        %sub3A_305 = arith.subi %sub3A_12, %mul3A_298 : i32
        %lt3A_306 = vector.broadcast %sub3A_305 : i32 to vector<8x1280xi32>
        %lt3A_307 = arith.cmpi slt, %iota3A, %lt3A_306 : vector<8x1280xi32>
        %jit3A_308 = arith.constant 0.000000e+00 : f32
        %broadcast_in_dim3A_309 = vector.broadcast %jit3A_308 : f32 to vector<8x1280xf32>
        %select_n3A_310 = arith.select %lt3A_307, %get3A_301, %broadcast_in_dim3A_309 : vector<8x1280xi1>, vector<8x1280xf32>
        %gt3A_311 = vector.broadcast %get3A_10 : f32 to vector<8x1280xf32>
        %gt3A_312 = arith.cmpf ogt, %select_n3A_310, %gt3A_311 : vector<8x1280xf32>
        %jit3A_313 = arith.constant 1.000000e+00 : f32
        %jit3A_314 = arith.constant 0.000000e+00 : f32
        %broadcast_in_dim3A_315 = vector.broadcast %jit3A_313 : f32 to vector<8x1280xf32>
        %broadcast_in_dim3A_316 = vector.broadcast %jit3A_314 : f32 to vector<8x1280xf32>
        %select_n3A_317 = arith.select %gt3A_312, %broadcast_in_dim3A_315, %broadcast_in_dim3A_316 : vector<8x1280xi1>, vector<8x1280xf32>
        %add3A_318 = arith.addf %add3A_284, %select_n3A_317 : vector<8x1280xf32>
        %jit3A_319 = arith.constant 0.000000e+00 : f32
        %broadcast_in_dim3A_320 = vector.broadcast %jit3A_319 : f32 to vector<8x1280xf32>
        %select_n3A_321 = arith.select %gt3A_312, %select_n3A_310, %broadcast_in_dim3A_320 : vector<8x1280xi1>, vector<8x1280xf32>
        %add3A_322 = arith.addf %add3A_288, %select_n3A_321 : vector<8x1280xf32>
        %jit3A_323 = arith.constant 0.000000e+00 : f32
        %broadcast_in_dim3A_324 = vector.broadcast %jit3A_323 : f32 to vector<8x1280xf32>
        %select_n3A_325 = arith.select %gt3A_312, %get3A_304, %broadcast_in_dim3A_324 : vector<8x1280xi1>, vector<8x1280xf32>
        %add3A_326 = arith.addf %add3A_292, %select_n3A_325 : vector<8x1280xf32>
        scf.yield %add3A_318, %add3A_322, %add3A_326 : vector<8x1280xf32>, vector<8x1280xf32>, vector<8x1280xf32>
      }
      %scan3A_27 = arith.constant 16 : i32
      %get3A_28 = arith.index_cast %arg1 : i32 to index
      %get3A_29 = arith.constant 0 : index
      %get3A_30 = vector.load %arg5[%get3A_28, %get3A_29] : memref<11x1280xf32, #tpu.memory_space<vmem>>, vector<1x1280xf32>
      %reduce_sum3A = arith.constant dense<0.000000e+00> : vector<1280xf32>
      %reduce_sum3A_31 = vector.multi_reduction <add>, %scan3A_26#0, %reduce_sum3A [0] : vector<8x1280xf32> to vector<1280xf32>
      %broadcast_in_dim3A_32 = vector.shape_cast %reduce_sum3A_31 : vector<1280xf32> to vector<1x1280xf32>
      %add3A = arith.addf %get3A_30, %broadcast_in_dim3A_32 : vector<1x1280xf32>
      %swap3A = arith.index_cast %arg1 : i32 to index
      %swap3A_33 = arith.constant 0 : index
      %swap3A_34 = vector.load %arg5[%swap3A, %swap3A_33] : memref<11x1280xf32, #tpu.memory_space<vmem>>, vector<1x1280xf32>
      tpu.vector_store %arg5[%swap3A, %swap3A_33], %add3A {strides = array<i32>} : memref<11x1280xf32, #tpu.memory_space<vmem>>, vector<1x1280xf32>,
      %get3A_35 = arith.index_cast %arg1 : i32 to index
      %get3A_36 = arith.constant 0 : index
      %get3A_37 = vector.load %arg6[%get3A_35, %get3A_36] : memref<11x1280xf32, #tpu.memory_space<vmem>>, vector<1x1280xf32>
      %reduce_sum3A_38 = arith.constant dense<0.000000e+00> : vector<1280xf32>
      %reduce_sum3A_39 = vector.multi_reduction <add>, %scan3A_26#1, %reduce_sum3A_38 [0] : vector<8x1280xf32> to vector<1280xf32>
      %broadcast_in_dim3A_40 = vector.shape_cast %reduce_sum3A_39 : vector<1280xf32> to vector<1x1280xf32>
      %add3A_41 = arith.addf %get3A_37, %broadcast_in_dim3A_40 : vector<1x1280xf32>
      %swap3A_42 = arith.index_cast %arg1 : i32 to index
      %swap3A_43 = arith.constant 0 : index
      %swap3A_44 = vector.load %arg6[%swap3A_42, %swap3A_43] : memref<11x1280xf32, #tpu.memory_space<vmem>>, vector<1x1280xf32>
      tpu.vector_store %arg6[%swap3A_42, %swap3A_43], %add3A_41 {strides = array<i32>} : memref<11x1280xf32, #tpu.memory_space<vmem>>, vector<1x1280xf32>,
      %get3A_45 = arith.index_cast %arg1 : i32 to index
      %get3A_46 = arith.constant 0 : index
      %get3A_47 = vector.load %arg7[%get3A_45, %get3A_46] : memref<11x1280xf32, #tpu.memory_space<vmem>>, vector<1x1280xf32>
      %reduce_sum3A_48 = arith.constant dense<0.000000e+00> : vector<1280xf32>
      %reduce_sum3A_49 = vector.multi_reduction <add>, %scan3A_26#2, %reduce_sum3A_48 [0] : vector<8x1280xf32> to vector<1280xf32>
      %broadcast_in_dim3A_50 = vector.shape_cast %reduce_sum3A_49 : vector<1280xf32> to vector<1x1280xf32>
      %add3A_51 = arith.addf %get3A_47, %broadcast_in_dim3A_50 : vector<1x1280xf32>
      %swap3A_52 = arith.index_cast %arg1 : i32 to index
      %swap3A_53 = arith.constant 0 : index
      %swap3A_54 = vector.load %arg7[%swap3A_52, %swap3A_53] : memref<11x1280xf32, #tpu.memory_space<vmem>>, vector<1x1280xf32>
      tpu.vector_store %arg7[%swap3A_52, %swap3A_53], %add3A_51 {strides = array<i32>} : memref<11x1280xf32, #tpu.memory_space<vmem>>, vector<1x1280xf32>,
    } else {
    }
    return
  }
  func.func @transform_0(%arg0: i32, %arg1: i32) -> (i32, i32) {
    %c0_i32 = arith.constant 0 : i32
    %c0_i32_0 = arith.constant 0 : i32
    %c0_i32_1 = arith.constant 0 : i32
    return %c0_i32, %c0_i32_0 : i32, i32
  }
  func.func @transform_1(%arg0: i32, %arg1: i32) -> (i32, i32) {
    %c0_i32 = arith.constant 0 : i32
    %c0_i32_0 = arith.constant 0 : i32
    return %arg0, %c0_i32 : i32, i32
  }
  func.func @transform_2(%arg0: i32, %arg1: i32) -> (i32, i32) {
    %c0_i32 = arith.constant 0 : i32
    %c0_i32_0 = arith.constant 0 : i32
    return %arg0, %c0_i32 : i32, i32
  }
  func.func @transform_3(%arg0: i32, %arg1: i32) -> (i32, i32) {
    %c0_i32 = arith.constant 0 : i32
    %c0_i32_0 = arith.constant 0 : i32
    %c0_i32_1 = arith.constant 0 : i32
    return %c0_i32, %c0_i32_0 : i32, i32
  }
  func.func @transform_4(%arg0: i32, %arg1: i32) -> (i32, i32) {
    %c0_i32 = arith.constant 0 : i32
    %c0_i32_0 = arith.constant 0 : i32
    %c0_i32_1 = arith.constant 0 : i32
    return %c0_i32, %c0_i32_0 : i32, i32
  }
  func.func @transform_5(%arg0: i32, %arg1: i32) -> (i32, i32) {
    %c0_i32 = arith.constant 0 : i32
    %c0_i32_0 = arith.constant 0 : i32
    %c0_i32_1 = arith.constant 0 : i32
    return %c0_i32, %c0_i32_0 : i32, i32
  }
}

module attributes {stable_mosaic.version = 14 : i64} {
  func.func @_fin_kernel(%arg0: memref<11x1280xf32, #tpu.memory_space<vmem>>, %arg1: memref<11x1280xf32, #tpu.memory_space<vmem>>, %arg2: memref<11x1280xf32, #tpu.memory_space<vmem>>, %arg3: memref<11x1280xf32, #tpu.memory_space<vmem>>, %arg4: memref<11x1280xf32, #tpu.memory_space<vmem>>, %arg5: memref<11x1280xf32, #tpu.memory_space<vmem>>, %arg6: memref<1x1xf32, #tpu.memory_space<vmem>>) attributes {dimension_semantics = [], scalar_prefetch = 0 : i64, scratch_operands = 0 : i64, tpu.core_type = #tpu.core_type<tc>} {
    %get3A = arith.constant 0 : index
    %get3A_0 = arith.constant 0 : index
    %get3A_1 = vector.load %arg0[%get3A, %get3A_0] : memref<11x1280xf32, #tpu.memory_space<vmem>>, vector<11x1280xf32>
    %get3A_2 = arith.constant 0 : index
    %get3A_3 = arith.constant 0 : index
    %get3A_4 = vector.load %arg1[%get3A_2, %get3A_3] : memref<11x1280xf32, #tpu.memory_space<vmem>>, vector<11x1280xf32>
    %get3A_5 = arith.constant 0 : index
    %get3A_6 = arith.constant 0 : index
    %get3A_7 = vector.load %arg2[%get3A_5, %get3A_6] : memref<11x1280xf32, #tpu.memory_space<vmem>>, vector<11x1280xf32>
    %get3A_8 = arith.constant 0 : index
    %get3A_9 = arith.constant 0 : index
    %get3A_10 = vector.load %arg3[%get3A_8, %get3A_9] : memref<11x1280xf32, #tpu.memory_space<vmem>>, vector<11x1280xf32>
    %add3A = arith.addf %get3A_1, %get3A_10 : vector<11x1280xf32>
    %get3A_11 = arith.constant 0 : index
    %get3A_12 = arith.constant 0 : index
    %get3A_13 = vector.load %arg4[%get3A_11, %get3A_12] : memref<11x1280xf32, #tpu.memory_space<vmem>>, vector<11x1280xf32>
    %add3A_14 = arith.addf %get3A_4, %get3A_13 : vector<11x1280xf32>
    %get3A_15 = arith.constant 0 : index
    %get3A_16 = arith.constant 0 : index
    %get3A_17 = vector.load %arg5[%get3A_15, %get3A_16] : memref<11x1280xf32, #tpu.memory_space<vmem>>, vector<11x1280xf32>
    %add3A_18 = arith.addf %get3A_7, %get3A_17 : vector<11x1280xf32>
    %slice3A = vector.extract_strided_slice %add3A {offsets = [0, 0], sizes = [10, 1280], strides = [1, 1]} : vector<11x1280xf32> to vector<10x1280xf32>
    %slice3A_19 = vector.extract_strided_slice %add3A {offsets = [1, 0], sizes = [10, 1280], strides = [1, 1]} : vector<11x1280xf32> to vector<10x1280xf32>
    %sub3A = arith.subf %slice3A, %slice3A_19 : vector<10x1280xf32>
    %slice3A_20 = vector.extract_strided_slice %add3A_14 {offsets = [0, 0], sizes = [10, 1280], strides = [1, 1]} : vector<11x1280xf32> to vector<10x1280xf32>
    %slice3A_21 = vector.extract_strided_slice %add3A_14 {offsets = [1, 0], sizes = [10, 1280], strides = [1, 1]} : vector<11x1280xf32> to vector<10x1280xf32>
    %sub3A_22 = arith.subf %slice3A_20, %slice3A_21 : vector<10x1280xf32>
    %slice3A_23 = vector.extract_strided_slice %add3A_18 {offsets = [0, 0], sizes = [10, 1280], strides = [1, 1]} : vector<11x1280xf32> to vector<10x1280xf32>
    %slice3A_24 = vector.extract_strided_slice %add3A_18 {offsets = [1, 0], sizes = [10, 1280], strides = [1, 1]} : vector<11x1280xf32> to vector<10x1280xf32>
    %sub3A_25 = arith.subf %slice3A_23, %slice3A_24 : vector<10x1280xf32>
    %iota3A = tpu.iota {dimensions = array<i32: 0>} : vector<1280x16xi32>
    %jit3A = arith.constant 10 : i32
    %eq3A = arith.constant 0 : i32
    %eq3A_26 = arith.cmpi eq, %jit3A, %eq3A : i32
    %jit3A_27 = arith.constant 1 : i32
    %select_n3A = arith.select %eq3A_26, %jit3A_27, %jit3A : i32
    %rem3A = vector.broadcast %select_n3A : i32 to vector<1280x16xi32>
    %rem3A_28 = arith.remsi %iota3A, %rem3A : vector<1280x16xi32>
    %ne3A = arith.constant 0 : i32
    %ne3A_29 = vector.broadcast %ne3A : i32 to vector<1280x16xi32>
    %ne3A_30 = arith.cmpi ne, %rem3A_28, %ne3A_29 : vector<1280x16xi32>
    %lt3A = arith.constant 0 : i32
    %lt3A_31 = vector.broadcast %lt3A : i32 to vector<1280x16xi32>
    %lt3A_32 = arith.cmpi slt, %rem3A_28, %lt3A_31 : vector<1280x16xi32>
    %lt3A_33 = arith.constant 0 : i32
    %lt3A_34 = arith.cmpi slt, %select_n3A, %lt3A_33 : i32
    %ne3A_35 = vector.broadcast %lt3A_34 : i1 to vector<1280x16xi1>
    %ne3A_36 = vector.broadcast %ne3A_35 : vector<1280x16xi1> to vector<1280x16xi1>
    %ne3A_37 = arith.xori %lt3A_32, %ne3A_36 : vector<1280x16xi1>
    %and3A = arith.andi %ne3A_37, %ne3A_30 : vector<1280x16xi1>
    %add3A_38 = vector.broadcast %select_n3A : i32 to vector<1280x16xi32>
    %add3A_39 = arith.addi %rem3A_28, %add3A_38 : vector<1280x16xi32>
    %select_n3A_40 = arith.select %and3A, %add3A_39, %rem3A_28 : vector<1280x16xi1>, vector<1280x16xi32>
    %iota3A_41 = tpu.iota {dimensions = array<i32: 1>} : vector<1280x16xi32>
    %eq3A_42 = arith.cmpi eq, %select_n3A_40, %iota3A_41 : vector<1280x16xi32>
    %convert_element_type3A = arith.extui %eq3A_42 : vector<1280x16xi1> to vector<1280x16xi32>
    %convert_element_type3A_43 = arith.sitofp %convert_element_type3A : vector<1280x16xi32> to vector<1280x16xf32>
    %dot_general3A = arith.constant dense<0.000000e+00> : vector<10x16xf32>
    %dot_general3A_44 = tpu.matmul %sub3A, %convert_element_type3A_43, %dot_general3A {dimension_numbers = #tpu.dot_dimension_numbers<[1], [0], [0], [1], [0, 0, 1, 1], [], []>, transpose_lhs_hint = false} : vector<10x1280xf32>, vector<1280x16xf32>, vector<10x16xf32> -> vector<10x16xf32>
    %dot_general3A_45 = arith.constant dense<0.000000e+00> : vector<10x16xf32>
    %dot_general3A_46 = tpu.matmul %sub3A_22, %convert_element_type3A_43, %dot_general3A_45 {dimension_numbers = #tpu.dot_dimension_numbers<[1], [0], [0], [1], [0, 0, 1, 1], [], []>, transpose_lhs_hint = false} : vector<10x1280xf32>, vector<1280x16xf32>, vector<10x16xf32> -> vector<10x16xf32>
    %dot_general3A_47 = arith.constant dense<0.000000e+00> : vector<10x16xf32>
    %dot_general3A_48 = tpu.matmul %sub3A_25, %convert_element_type3A_43, %dot_general3A_47 {dimension_numbers = #tpu.dot_dimension_numbers<[1], [0], [0], [1], [0, 0, 1, 1], [], []>, transpose_lhs_hint = false} : vector<10x1280xf32>, vector<1280x16xf32>, vector<10x16xf32> -> vector<10x16xf32>
    %gt3A = arith.constant 0.000000e+00 : f32
    %gt3A_49 = vector.broadcast %gt3A : f32 to vector<10x16xf32>
    %gt3A_50 = arith.cmpf ogt, %dot_general3A_44, %gt3A_49 : vector<10x16xf32>
    %jit3A_51 = arith.constant 1.000000e+00 : f32
    %broadcast_in_dim3A = vector.broadcast %jit3A_51 : f32 to vector<10x16xf32>
    %select_n3A_52 = arith.select %gt3A_50, %dot_general3A_44, %broadcast_in_dim3A : vector<10x16xi1>, vector<10x16xf32>
    %sub3A_53 = arith.subf %dot_general3A_46, %dot_general3A_48 : vector<10x16xf32>
    %mul3A = arith.mulf %sub3A_53, %sub3A_53 : vector<10x16xf32>
    %div3A = arith.divf %mul3A, %select_n3A_52 : vector<10x16xf32>
    %jit3A_54 = arith.constant 0.000000e+00 : f32
    %broadcast_in_dim3A_55 = vector.broadcast %jit3A_54 : f32 to vector<10x16xf32>
    %select_n3A_56 = arith.select %gt3A_50, %div3A, %broadcast_in_dim3A_55 : vector<10x16xi1>, vector<10x16xf32>
    %reduce_sum3A = arith.constant dense<0.000000e+00> : vector<16xf32>
    %reduce_sum3A_57 = vector.multi_reduction <add>, %dot_general3A_44, %reduce_sum3A [0] : vector<10x16xf32> to vector<16xf32>
    %broadcast_in_dim3A_58 = vector.shape_cast %reduce_sum3A_57 : vector<16xf32> to vector<1x16xf32>
    %reduce_sum3A_59 = arith.constant dense<0.000000e+00> : vector<16xf32>
    %reduce_sum3A_60 = vector.multi_reduction <add>, %select_n3A_56, %reduce_sum3A_59 [0] : vector<10x16xf32> to vector<16xf32>
    %broadcast_in_dim3A_61 = vector.shape_cast %reduce_sum3A_60 : vector<16xf32> to vector<1x16xf32>
    %gt3A_62 = arith.constant 0.000000e+00 : f32
    %gt3A_63 = vector.broadcast %gt3A_62 : f32 to vector<1x16xf32>
    %gt3A_64 = arith.cmpf ogt, %broadcast_in_dim3A_58, %gt3A_63 : vector<1x16xf32>
    %jit3A_65 = arith.constant 1.000000e+00 : f32
    %broadcast_in_dim3A_66 = vector.broadcast %jit3A_65 : f32 to vector<1x16xf32>
    %select_n3A_67 = arith.select %gt3A_64, %broadcast_in_dim3A_58, %broadcast_in_dim3A_66 : vector<1x16xi1>, vector<1x16xf32>
    %div3A_68 = arith.divf %broadcast_in_dim3A_61, %select_n3A_67 : vector<1x16xf32>
    %reduce_sum3A_69 = arith.constant dense<0.000000e+00> : vector<1xf32>
    %reduce_sum3A_70 = vector.multi_reduction <add>, %div3A_68, %reduce_sum3A_69 [1] : vector<1x16xf32> to vector<1xf32>
    %broadcast_in_dim3A_71 = vector.shape_cast %reduce_sum3A_70 : vector<1xf32> to vector<1x1xf32>
    %div3A_72 = arith.constant 1.000000e+01 : f32
    %div3A_73 = vector.broadcast %div3A_72 : f32 to vector<1x1xf32>
    %div3A_74 = arith.divf %broadcast_in_dim3A_71, %div3A_73 : vector<1x1xf32>
    %sqrt3A = math.sqrt %div3A_74 : vector<1x1xf32>
    %swap3A = arith.constant 0 : index
    %swap3A_75 = arith.constant 0 : index
    %swap3A_76 = vector.load %arg6[%swap3A, %swap3A_75] : memref<1x1xf32, #tpu.memory_space<vmem>>, vector<1x1xf32>
    tpu.vector_store %arg6[%swap3A, %swap3A_75], %sqrt3A {strides = array<i32>} : memref<1x1xf32, #tpu.memory_space<vmem>>, vector<1x1xf32>,
    return
  }
}

</mosaic_0001>

<sc_bundles>
// kernel: sparse-core-data-format-call.1.cloned.1.call-start
scs
called_computation.1_lowered:
.L_overlay_start_0:
0x0: {  	s1 =	sld [smem:$0x3FD9]  }
0x1: {  	s2 =	sld [smem:$0x3FFE];
	_ =	sdelay $0x1  }
0x2: {  	s3 =	srdreg.scid  }
0x3: {  	s0 =	sand.u32 $0x1, s3  }
0x4: {  	s17 =	sshll.u32 s0, $0xA;
	s1 =	sadd.s32 s2, s1  }
0x5: {  	s1 =	sadd.s32 s1, s17  }
0x6: {  	[smem:$0x3FC6] =	sst s1  }
0x7: {  	_ = 	snop  }
0x8: {  	(tm) =	ssettm $0x1  }
0x9: {  	s18 =	sld [smem:$0x3FFB];
	_ =	sdelay $0x3  }
0xa: {  	_ =	strace s18  }
0xb: {  	s1 =	sld [smem:$0x3FFC];
	_ =	sdelay $0x3  }
0xc: {  	_ =	strace s1  }
0xd: {  	s1 =	sld [smem:$0x3FFD];
	_ =	sdelay $0x3  }
0xe: {  	_ =	strace s1  }
0xf: {  	_ =	strace $0x8FFFFFFF  }
0x10: {  	s19 =	sld [smem:$0x3FDB];
	_ =	sdelay $0x1  }
0x11: {  	s20 =	simm.s32 $_scs_section_size  }
0x12: {  	s4 =	simm.s32 $_size__tile_overlayer_lowered;
	s5 =	simm.s32 $_tile_overlayer_lowered  }
0x13: {  	s23 =	simm.s32 $0x1BFF;
	s22 =	sshll.u32 s5, $0x1;
	s1 =	sadd.s32 s20, s19  }
0x14: {  	s6 =	simm.s32 $0x0;
	s21 =	sshll.u32 s4, $0x1;
	s4 =	sadd.s32 s22, s1  }
0x15: {  	[timem:s6], [sflag:s23] =	dma.local [hbm:s4], s21  }
0x16: {  	_ =	swait.ge [sflag:s23], s21  }
0x17: {  	s2 =	ssub.s32 $0x0, s21;
	[sflag:s23] =	ssyncset.done $0x0  }
0x18: {  	[sflag:s23] =	ssyncadd.s32 s2;
	_ =	sdelay $0x1  }
0x19: {  	s24 =	simm.s32 $0x1B8B  }
0x1a: {  	_ =	swait.ge [sflag:s24], $0x1  }
0x1b: {  	[sflag:s24] =	ssyncset.done $0x0  }
0x1c: {  	s26 =	simm.s32 $0x1B8E;
	s25 =	sld [smem:$0x3FFE];
	[sflag:s24] =	ssyncadd.s32 $0xFFFFFFFF  }
0x1d: {  	s27 =	simm.s32 $execute0_lowered;
	[smem:$0x3FD2] =	sst s26  }
0x1e: {  	s4 =	sshll.u32 s27, $0x1;
	_ =	strace $0x80000046;
	[dreg:$0x1] =	wrdreg $0xFFFFFFFF  }
0x1f: {  	s28 =	simm.s32 $_size_execute0_lowered;
	s1 =	sadd.s32 s1, s4;
	[dreg:$0x0] =	wrdreg $0x0  }
0x20: {  	s4 =	sshll.u32 s28, $0x1;
	[dreg:$0x2] =	wrdreg s1  }
0x21: {  	[dreg:$0x3] =	wrdreg s4  }
0x22: {  	[dreg:$0x4] =	wrdreg $0xC0  }
0x23: {  	_ =	task [dreg:s6], $0x5FFFF  }
0x24: {  	[dreg:$0x1] =	wrdreg $0xFFFFFFFF  }
0x25: {  	[dreg:$0x0] =	wrdreg $0x60  }
0x26: {  	[dreg:$0x2] =	wrdreg s25  }
0x27: {  	[dreg:$0x3] =	wrdreg $0xA  }
0x28: {  	_ =	task.clear_ibuf [dreg:s6], $0x4FFFF;
	_ =	strace $0x90000046  }
0x29: {  	s29 =	simm.s32 $0xA;
	_ =	strace $0x80000048  }
0x2a: {  	_ =	swait.ge [sflag:s29], $0x1  }
0x2b: {  	[sflag:s29] =	ssyncadd.s32 $0xFFFFFFFF  }
0x2c: {  	_ =	strace $0x90000048  }
0x2d: {  	_ =	sfence  }
0x2e: {  	s30 =	sld [smem:$0x0];
	_ =	sdelay $0x2  }
0x2f: {  	s31 =	sshll.u32 s3, $0xD;
	s3 =	sshrl.u32 s3, $0x2  }
0x30: {  	s2 =	sand.u32 $0x4000, s31;
	s1 =	sadd.s32 s3, s30  }
0x31: {  	s0 =	sor.u32 s2, s0;
	s1 =	sshll.u32 s1, $0x11  }
0x32: {  	s0 =	sor.u32 s1, s0  }
0x33: {  	s0 =	sadd.s32 $0x8F2B, s0  }
0x34: {  	[sflag:s0] =	ssyncadd.remote.s32 $0x1  }
0x35: {  	_ =	sfence.sel $0xFFFF  }
0x36: {  	[dreg:$0x0] =	wrdreg $0xFFFFFFFF;
	(pc) =	sbr.abs _section_cstart, $3  }
0x37: {  	[dreg:$0x1] =	wrdreg $0xFFFFFFFF  }
0x38: {  	_ =	task.clear_ibuf [dreg:s6], $0x2FFFF;
	_ =	strace $0x9FFFFFFF  }
0x39: {  	(tm) =	ssettm $0x7FFFFFFF  }
tec
execute0_lowered:
.L_overlay_start_1:
0x0: {  	(tag) =	ssettag $0x1  }
0x1: {  	s0 =	srdreg.scid  }
0x2: {  	s6 =	rddreg [dreg:$0x0];
	s7 =	simm.s32 $0x1;
	s1 =	sshll.u32 s0, $0x4  }
0x3: {  	s8 =	simm.s32 $0x2;
	s0 =	stileid.u32;
	s1 =	sand.u32 $0x10, s1  }
0x4: {  	s13 =	simm.s32 $0x0;
	s12 =	simm.s32 $0x0;
	s1 =	sor.u32 s0, s1  }
0x5: {  	s10 =	simm.s32 $0x0;
	s11 =	simm.s32 $0x0;
	s2 =	sshll.u32 s1, $0x9  }
0x6: {  	s3 =	sadd.s32 $0x2200, s6;
	s6 =	sadd.s32 $0x1EA600, s6;
	s5 =	ssub.s32 $0xF4200, s2  }
.Ltmp0:
0x7: {  	s1 =	rddreg [dreg:$0x1];
	s4 =	sand.u32 $0x3E00, s5;
	(pc) =	sbr.rel .LBB1_1-.Ltmp0, $4  }
0x8: {  	_ =	strace $0x80000047;
	s9 =	smov.u32 s2;
	p0 =	sne.s32 s4, $0x0  }
0x9: {  	s5 =	sshrl.u32 s5, $0xE;
	s4 =	simm.s32 $0x1;
	s7 =	simm.s32 @!p0 $0x0  }
0xa: {  	[sflag:s4] =	ssyncpa.u1 $0x0;
	p0 =	por $0x0, $0x0;
	s5 =	sadd.s32 s7, s5  }
0xb: {  	[sflag:s8] =	ssyncpa.u1 $0x0;
	s8 =	simm.s32 $0x80;
	s7 =	sadd.s32 $0x1, s5  }
.LBB1_4:
0xc: {  	_ = 	snop  }
0xd: {  	[tilespmem:s18+$0x1760 ss:$0x11] =	vst.msk $0xffff, v7  }
0xe: {  	[tilespmem:s18+$0x1870 ss:$0x11] =	vst.msk $0xffff, v6  }
0xf: {  	[tilespmem:s18+$0x1A90 ss:$0x11] =	vst.msk $0xffff, v3  }
0x10: {  	s21 =	sor.u32 s24, s23;
	v31 =	vld.idx.msk [tilespmem:v0+s16+$0xC70 ss:$0x1], $0xffff;
	[tilespmem:s18+$0x1BA0 ss:$0x11] =	vst.msk $0xffff, v1  }
0x11: {  	[tilespmem:s18+$0x1CB0 ss:$0x11] =	vst.msk $0xffff, v2;
	v43 =	vld.idx.msk [tilespmem:v0+s21+$0x410 ss:$0x1], $0xffff  }
0x12: {  	[tilespmem:s18+$0x1DC0 ss:$0x11] =	vst.msk $0xffff, v4;
	v44 =	vld.idx.msk [tilespmem:v0+s21+$0x420 ss:$0x1], $0xffff  }
0x13: {  	[tilespmem:s18+$0x1ED0 ss:$0x11] =	vst.msk $0xffff, v5;
	s22 =	sand.u32 $0x1200, s21;
	v45 =	vld.idx.msk [tilespmem:v0+s21+$0x430 ss:$0x1], $0xffff  }
0x14: {  	s20 =	sand.u32 $0x180, s20;
	s25 =	sshra.s32 s19, $0x2;
	[tilespmem:s18+$0x1FE0 ss:$0x11] =	vst.msk $0xffff, v8;
	v46 =	vld.idx.msk [tilespmem:v0+s21+$0x440 ss:$0x1], $0xffff;
	s15 =	sadd.s32 s22, s15  }
0x15: {  	v47 =	vld.idx.msk [tilespmem:v0+s21+$0x450 ss:$0x1], $0xffff;
	s24 =	sadd.s32 s20, s15;
	s15 =	sadd.s32 s25, s17;
	[tilespmem:s18+$0x20F0 ss:$0x11] =	vst.msk $0xffff, v31  }
0x16: {  	v48 =	vld.idx.msk [tilespmem:v0+s21+$0x460 ss:$0x1], $0xffff;
	[tilespmem:s15+$0x990 ss:$0x11] =	vst.msk $0xffff, v43  }
0x17: {  	v49 =	vld.idx.msk [tilespmem:v0+s21+$0x470 ss:$0x1], $0xffff;
	[tilespmem:s15+$0xAA0 ss:$0x11] =	vst.msk $0xffff, v44  }
0x18: {  	v50 =	vld.idx.msk [tilespmem:v0+s21+$0x810 ss:$0x1], $0xffff;
	[tilespmem:s15+$0xBB0 ss:$0x11] =	vst.msk $0xffff, v45  }
0x19: {  	v51 =	vld.idx.msk [tilespmem:v0+s21+$0x820 ss:$0x1], $0xffff;
	[tilespmem:s15+$0xCC0 ss:$0x11] =	vst.msk $0xffff, v46  }
0x1a: {  	v52 =	vld.idx.msk [tilespmem:v0+s21+$0x830 ss:$0x1], $0xffff;
	[tilespmem:s15+$0xDD0 ss:$0x11] =	vst.msk $0xffff, v47  }
0x1b: {  	v53 =	vld.idx.msk [tilespmem:v0+s21+$0x840 ss:$0x1], $0xffff;
	[tilespmem:s15+$0xEE0 ss:$0x11] =	vst.msk $0xffff, v48  }
0x1c: {  	v54 =	vld.idx.msk [tilespmem:v0+s21+$0x850 ss:$0x1], $0xffff;
	[tilespmem:s15+$0xFF0 ss:$0x11] =	vst.msk $0xffff, v49  }
0x1d: {  	v55 =	vld.idx.msk [tilespmem:v0+s21+$0x860 ss:$0x1], $0xffff;
	[tilespmem:s15+$0x1210 ss:$0x11] =	vst.msk $0xffff, v50  }
0x1e: {  	v56 =	vld.idx.msk [tilespmem:v0+s21+$0x870 ss:$0x1], $0xffff;
	[tilespmem:s15+$0x1320 ss:$0x11] =	vst.msk $0xffff, v51  }
0x1f: {  	v57 =	vld.idx.msk [tilespmem:v0+s21+$0xC10 ss:$0x1], $0xffff;
	[tilespmem:s15+$0x1430 ss:$0x11] =	vst.msk $0xffff, v52  }
0x20: {  	v58 =	vld.idx.msk [tilespmem:v0+s21+$0xC20 ss:$0x1], $0xffff;
	[tilespmem:s15+$0x1540 ss:$0x11] =	vst.msk $0xffff, v53  }
0x21: {  	v59 =	vld.idx.msk [tilespmem:v0+s21+$0xC30 ss:$0x1], $0xffff;
	[tilespmem:s15+$0x1650 ss:$0x11] =	vst.msk $0xffff, v54  }
0x22: {  	v60 =	vld.idx.msk [tilespmem:v0+s21+$0xC40 ss:$0x1], $0xffff;
	[tilespmem:s15+$0x1760 ss:$0x11] =	vst.msk $0xffff, v55  }
0x23: {  	v61 =	vld.idx.msk [tilespmem:v0+s21+$0xC50 ss:$0x1], $0xffff;
	[tilespmem:s15+$0x1870 ss:$0x11] =	vst.msk $0xffff, v56  }
0x24: {  	v62 =	vld.idx.msk [tilespmem:v0+s21+$0xC60 ss:$0x1], $0xffff;
	[tilespmem:s15+$0x1A90 ss:$0x11] =	vst.msk $0xffff, v57  }
0x25: {  	v63 =	vld.idx.msk [tilespmem:v0+s21+$0xC70 ss:$0x1], $0xffff;
	[tilespmem:s15+$0x1BA0 ss:$0x11] =	vst.msk $0xffff, v58  }
0x26: {  	v32 =	vld [tilespmem:s24+$0xC00];
	[tilespmem:s15+$0x1CB0 ss:$0x11] =	vst.msk $0xffff, v59  }
0x27: {  	v33 =	vld [tilespmem:s24+$0x0];
	[tilespmem:s15+$0x1DC0 ss:$0x11] =	vst.msk $0xffff, v60  }
0x28: {  	v34 =	vld [tilespmem:s24+$0x10];
	[tilespmem:s15+$0x1ED0 ss:$0x11] =	vst.msk $0xffff, v61  }
0x29: {  	s13 =	sshll.u32 s13, $0x7;
	s26 =	sshll.u32 s12, $0x3;
	v35 =	vld [tilespmem:s24+$0x20];
	[tilespmem:s15+$0x1FE0 ss:$0x11] =	vst.msk $0xffff, v62  }
0x2a: {  	s27 =	sand.u32 $0xFFFFFC00, s13;
	s16 =	sand.u32 $0xFFFFFC00, s26;
	v36 =	vld [tilespmem:s24+$0x30];
	[tilespmem:s15+$0x20F0 ss:$0x11] =	vst.msk $0xffff, v63  }
0x2b: {  	s13 =	sand.u32 $0x380, s13;
	s16 =	sadd.s32 s16, s27;
	v37 =	vld [tilespmem:s24+$0x40];
	[tilespmem:s15+$0x1980 ss:$0x11] =	vst.msk $0xffff, v32  }
0x2c: {  	s13 =	sor.u32 s13, s16;
	v38 =	vld [tilespmem:s24+$0x50];
	[tilespmem:s15+$0x0 ss:$0x11] =	vst.msk $0xffff, v33  }
0x2d: {  	v39 =	vld [tilespmem:s24+$0x60];
	s13 =	sshrl.u32 s13, $0x7;
	[tilespmem:s15+$0x110 ss:$0x11] =	vst.msk $0xffff, v34  }
0x2e: {  	v40 =	vld [tilespmem:s24+$0x70];
	s28 =	smulhi.u32 $0x218E7C1, s13;
	[tilespmem:s15+$0x220 ss:$0x11] =	vst.msk $0xffff, v35  }
0x2f: {  	v41 =	vld [tilespmem:s24+$0x400];
	[tilespmem:s15+$0x330 ss:$0x11] =	vst.msk $0xffff, v36  }
0x30: {  	v42 =	vld [tilespmem:s24+$0x800];
	s16 =	sshrl.u32 s28, $0xD;
	[tilespmem:s15+$0x440 ss:$0x11] =	vst.msk $0xffff, v37  }
0x31: {  	s16 =	smul.u32 $0xF4200, s16;
	[tilespmem:s15+$0x550 ss:$0x11] =	vst.msk $0xffff, v38  }
0x32: {  	s29 =	sshrl.u32 s12, $0x3;
	[tilespmem:s15+$0x660 ss:$0x11] =	vst.msk $0xffff, v39  }
0x33: {  	s31 =	sand.u32 $0x7, s12;
	s30 =	sand.u32 $0xF, s29;
	[tilespmem:s15+$0x770 ss:$0x11] =	vst.msk $0xffff, v40;
	s13 =	ssub.s32 s13, s16  }
0x34: {  	s12 =	sshll.u32 s31, $0x12;
	[tilespmem:s15+$0x880 ss:$0x11] =	vst.msk $0xffff, v41;
	s16 =	sadd.s32 s6, s30;
	s13 =	sshll.u32 s13, $0x4  }
0x35: {  	s12 =	sor.u32 $0x10, s12;
	[tilespmem:s15+$0x1100 ss:$0x11] =	vst.msk $0xffff, v42;
	s13 =	sadd.s32 s13, s16  }
0x36: {  	[hbm4b:s13+s12] =	stream.strided.scatter [tilespmem:s14], [sflag:$0x2], $0x2000, s8, s12, $0x8;
	[tilespmem:$0x8400] =	vst v63  }
.LBB1_5:
0x37: {  	s14 =	sadd.s32 $0x4000, s9  }
0x38: {  	s12 =	sadd.s32 $0x10, s10;
	s16 =	smov.u32 s10;
	p2 =	sgt.s32 s14, $0xF41FF  }
0x39: {  	s16 =	smov.u32 @p2 s12  }
0x3a: {  	s14 =	smov.u32 @p2 s2;
	p2 =	sgt.s32 s16, $0x9  }
0x3b: {  	s16 =	simm.s32 @p2 $0x0;
	p2 =	sne.s32 s11, s7  }
.Ltmp1:
0x3c: {  	p1 =	slt.u32 s11, $0x2;
	(pc) =	sbr.rel @!p2 .LBB1_6-.Ltmp1, $4  }
0x3d: {  	s15 =	simm.s32 @!p1 $0x2  }
0x3e: {  	s13 =	smov.u32 s9;
	p0 =	por !p0, !p0;
	_ =	swait.ge @!p1 [sflag:s15], $0x2000  }
0x3f: {  	s12 =	smov.u32 s10;
	[sflag:s15] =	ssyncset.done @!p1 $0x0;
	s9 =	smov.u32 s14  }
0x40: {  	s11 =	sadd.s32 $0x1, s11;
	[sflag:s15] =	ssyncadd.s32 @!p1 $0xFFFFE000;
	s10 =	smov.u32 s16  }
.LBB1_1:
0x41: {  	p1 =	sge.u32 s11, s5  }
0x42: {  	s14 =	sshrl.u32 @!p1 s10, $0x3  }
0x43: {  	s15 =	sshll.u32 @!p1 s9, $0x3;
	s14 =	smul.u32 @!p1 $0x7A1000, s14  }
0x44: {  	s16 =	sshll.u32 @!p1 s10, $0x7;
	s15 =	sand.u32 @!p1 $0xFFFFFC00, s15  }
0x45: {  	s14 =	sadd.s32 @!p1 s14, s15;
	s15 =	sand.u32 @!p1 $0x380, s16  }
0x46: {  	s14 =	sor.u32 @!p1 s15, s14  }
0x47: {  	s15 =	sshrl.u32 @!p1 s14, $0x9  }
0x48: {  	s15 =	smulhi.u32 @!p1 $0x8639F1, s15;
	_ =	sdelay $0x1  }
0x49: {  	s15 =	sshrl.u32 @!p1 s15, $0x2  }
0x4a: {  	s16 =	sand.u32 @!p1 $0x7F, s9;
	s17 =	smul.u32 @!p1 $0xF4200, s15  }
0x4b: {  	s31 =	sadd.s32 $0xFFFFFFFF, s11;
	s14 =	sor.u32 @!p1 s16, s14;
	s16 =	sxor.u32 @!p1 $0xFFFFFFFF, s11  }
0x4c: {  	s16 =	sshll.u32 @!p1 s16, $0xD;
	s15 =	sand.u32 @!p1 $0xF, s15;
	s14 =	ssub.s32 @!p1 s14, s17  }
0x4d: {  	s15 =	smul.u32 @!p1 $0x1E840, s15;
	s17 =	sshrl.u32 @!p1 s14, $0x3;
	s14 =	sand.u32 @!p1 $0x7, s14  }
0x4e: {  	s16 =	sand.u32 @!p1 $0x2000, s16;
	s17 =	sadd.s32 @!p1 s3, s17;
	s14 =	sshll.u32 @!p1 s14, $0x12  }
0x4f: {  	s15 =	sadd.s32 @!p1 s15, s17;
	s14 =	sor.u32 @!p1 $0x1000, s14;
	s17 =	simm.s32 @!p1 $0x7A1000  }
0x50: {  	[tilespmem:s16], [sflag:$0x1] =	stream.strided.gather @!p1 [hbm4b:s15+s14], $0x2000, s17, s14, $0x38;
	[tilespmem:$0x8400] =	vst v63  }
0x51: {  	p1 =	sge.u32 s31, s5  }
.Ltmp2:
0x52: {  	_ = 	snop;
	(pc) =	sbr.rel @p1 .LBB1_5-.Ltmp2, $1  }
0x53: {  	_ =	sdelay $0x3  }
0x54: {  	s17 =	simm.s32 $0x0  }
0x55: {  	s16 =	sand.u32 $0x1000, s17;
	s18 =	sand.u32 $0x380, s17  }
0x56: {  	s14 =	sand.u32 $0x1, s11;
	s16 =	sor.u32 s18, s16  }
0x57: {  	_ =	swait.ge [sflag:s4], $0x2000;
	s15 =	sshll.u32 s14, $0xD;
	s18 =	sand.u32 $0x1200, s16  }
0x58: {  	[sflag:s4] =	ssyncset.done $0x0;
	s17 =	sand.u32 $0x180, s17;
	s18 =	sadd.s32 s18, s15  }
0x59: {  	[sflag:s4] =	ssyncadd.s32 $0xFFFFE000;
	s20 =	sadd.s32 s17, s18  }
0x5a: {  	v4 =	vld [tilespmem:s20+$0xC00]  }
0x5b: {  	s19 =	simm.s32 $0x1;
	v0 =	vmov s15;
	v5 =	vld [tilespmem:s20+$0x0]  }
0x5c: {  	s19 =	simm.s32 @!p0 $0x0;
	v6 =	vld [tilespmem:s20+$0x10]  }
0x5d: {  	s31 =	smul.u32 $0x8800, s19;
	v7 =	vld [tilespmem:s20+$0x20]  }
0x5e: {  	v8 =	vld [tilespmem:s20+$0x30]  }
0x5f: {  	s17 =	sshrl.u32 s31, $0x2;
	v9 =	vld [tilespmem:s20+$0x40]  }
0x60: {  	s17 =	sor.u32 $0x4000, s17;
	v1 =	vld.idx.msk [tilespmem:v0+s16+$0x410 ss:$0x1], $0xffff  }
0x61: {  	v2 =	vld.idx.msk [tilespmem:v0+s16+$0x420 ss:$0x1], $0xffff;
	s18 =	sadd.s32 $0x0, s17  }
0x62: {  	v3 =	vld.idx.msk [tilespmem:v0+s16+$0x430 ss:$0x1], $0xffff;
	[tilespmem:s18+$0x1980 ss:$0x11] =	vst.msk $0xffff, v4  }
0x63: {  	v10 =	vld.idx.msk [tilespmem:v0+s16+$0x820 ss:$0x1], $0xffff;
	[tilespmem:s18+$0x0 ss:$0x11] =	vst.msk $0xffff, v5  }
0x64: {  	v11 =	vld.idx.msk [tilespmem:v0+s16+$0x830 ss:$0x1], $0xffff;
	[tilespmem:s18+$0x110 ss:$0x11] =	vst.msk $0xffff, v6  }
0x65: {  	v12 =	vld.idx.msk [tilespmem:v0+s16+$0x840 ss:$0x1], $0xffff;
	[tilespmem:s18+$0x220 ss:$0x11] =	vst.msk $0xffff, v7  }
0x66: {  	v13 =	vld.idx.msk [tilespmem:v0+s16+$0x850 ss:$0x1], $0xffff;
	[tilespmem:s18+$0x330 ss:$0x11] =	vst.msk $0xffff, v8  }
0x67: {  	v4 =	vld [tilespmem:s20+$0x50];
	[tilespmem:s18+$0x440 ss:$0x11] =	vst.msk $0xffff, v9  }
0x68: {  	v5 =	vld [tilespmem:s20+$0x60];
	[tilespmem:s18+$0x990 ss:$0x11] =	vst.msk $0xffff, v1  }
0x69: {  	v6 =	vld [tilespmem:s20+$0x70];
	[tilespmem:s18+$0xAA0 ss:$0x11] =	vst.msk $0xffff, v2  }
0x6a: {  	v7 =	vld [tilespmem:s20+$0x400];
	[tilespmem:s18+$0xBB0 ss:$0x11] =	vst.msk $0xffff, v3  }
0x6b: {  	v8 =	vld [tilespmem:s20+$0x800];
	[tilespmem:s18+$0x1320 ss:$0x11] =	vst.msk $0xffff, v10  }
0x6c: {  	v9 =	vld.idx.msk [tilespmem:v0+s16+$0x470 ss:$0x1], $0xffff;
	[tilespmem:s18+$0x1430 ss:$0x11] =	vst.msk $0xffff, v11  }
0x6d: {  	v3 =	vld.idx.msk [tilespmem:v0+s16+$0xC10 ss:$0x1], $0xffff;
	[tilespmem:s18+$0x1540 ss:$0x11] =	vst.msk $0xffff, v12  }
0x6e: {  	v1 =	vld.idx.msk [tilespmem:v0+s16+$0xC20 ss:$0x1], $0xffff;
	[tilespmem:s18+$0x1650 ss:$0x11] =	vst.msk $0xffff, v13  }
0x6f: {  	v2 =	vld.idx.msk [tilespmem:v0+s16+$0xC30 ss:$0x1], $0xffff;
	[tilespmem:s18+$0x550 ss:$0x11] =	vst.msk $0xffff, v4  }
0x70: {  	[tilespmem:s18+$0x770 ss:$0x11] =	vst.msk $0xffff, v6;
	v6 =	vld.idx.msk [tilespmem:v0+s16+$0x460 ss:$0x1], $0xffff  }
0x71: {  	v4 =	vld.idx.msk [tilespmem:v0+s16+$0x440 ss:$0x1], $0xffff;
	[tilespmem:s18+$0x660 ss:$0x11] =	vst.msk $0xffff, v5  }
0x72: {  	v5 =	vld.idx.msk [tilespmem:v0+s16+$0x450 ss:$0x1], $0xffff;
	[tilespmem:s18+$0x880 ss:$0x11] =	vst.msk $0xffff, v7  }
0x73: {  	[tilespmem:s18+$0x1100 ss:$0x11] =	vst.msk $0xffff, v8;
	v8 =	vld.idx.msk [tilespmem:v0+s16+$0x810 ss:$0x1], $0xffff  }
0x74: {  	v7 =	vld.idx.msk [tilespmem:v0+s16+$0x860 ss:$0x1], $0xffff;
	[tilespmem:s18+$0xFF0 ss:$0x11] =	vst.msk $0xffff, v9  }
0x75: {  	s14 =	smul.u32 $0x8800, s14;
	[tilespmem:s18+$0xEE0 ss:$0x11] =	vst.msk $0xffff, v6;
	v6 =	vld.idx.msk [tilespmem:v0+s16+$0x870 ss:$0x1], $0xffff  }
0x76: {  	s21 =	simm.s32 $0x200;
	s22 =	simm.s32 $0x8;
	[tilespmem:s18+$0xCC0 ss:$0x11] =	vst.msk $0xffff, v4;
	v4 =	vld.idx.msk [tilespmem:v0+s16+$0xC40 ss:$0x1], $0xffff  }
0x77: {  	s23 =	sand.u32 $0x1000, s21;
	s14 =	sshrl.u32 s14, $0x2;
	s20 =	simm.s32 $0x80;
	[tilespmem:s18+$0xDD0 ss:$0x11] =	vst.msk $0xffff, v5;
	v5 =	vld.idx.msk [tilespmem:v0+s16+$0xC50 ss:$0x1], $0xffff  }
0x78: {  	s19 =	simm.s32 $0x4;
	s14 =	sor.u32 $0x4000, s14;
	s24 =	sand.u32 $0x380, s20;
	[tilespmem:s18+$0x1210 ss:$0x11] =	vst.msk $0xffff, v8;
	v8 =	vld.idx.msk [tilespmem:v0+s16+$0xC60 ss:$0x1], $0xffff  }
.LBB1_3:
0x79: {  	p1 =	sne.s32 s22, $0x3C;
	[tilespmem:s18+$0x1760 ss:$0x11] =	vst.msk $0xffff, v7;
	v7 =	vld.idx.msk [tilespmem:v0+s16+$0xC70 ss:$0x1], $0xffff;
	s16 =	sor.u32 s24, s23  }
0x7a: {  	s23 =	sand.u32 $0x1200, s16;
	v9 =	vld.idx.msk [tilespmem:v0+s16+$0x410 ss:$0x1], $0xffff;
	[tilespmem:s18+$0x1870 ss:$0x11] =	vst.msk $0xffff, v6  }
0x7b: {  	s24 =	sand.u32 $0x180, s20;
	s23 =	sadd.s32 s23, s15;
	v6 =	vld.idx.msk [tilespmem:v0+s16+$0x420 ss:$0x1], $0xffff;
	[tilespmem:s18+$0x1A90 ss:$0x11] =	vst.msk $0xffff, v3  }
0x7c: {  	s23 =	sadd.s32 s24, s23;
	v3 =	vld.idx.msk [tilespmem:v0+s16+$0x430 ss:$0x1], $0xffff;
	[tilespmem:s18+$0x1BA0 ss:$0x11] =	vst.msk $0xffff, v1  }
0x7d: {  	v1 =	vld [tilespmem:s23+$0xC00];
	[tilespmem:s18+$0x1CB0 ss:$0x11] =	vst.msk $0xffff, v2  }
0x7e: {  	v2 =	vld [tilespmem:s23+$0x0];
	[tilespmem:s18+$0x1DC0 ss:$0x11] =	vst.msk $0xffff, v4  }
0x7f: {  	v4 =	vld [tilespmem:s23+$0x10];
	[tilespmem:s18+$0x1ED0 ss:$0x11] =	vst.msk $0xffff, v5  }
0x80: {  	s24 =	sshra.s32 s19, $0x2;
	s19 =	smov.u32 s22;
	v5 =	vld [tilespmem:s23+$0x20];
	[tilespmem:s18+$0x1FE0 ss:$0x11] =	vst.msk $0xffff, v8  }
0x81: {  	v8 =	vld [tilespmem:s23+$0x30];
	[tilespmem:s18+$0x20F0 ss:$0x11] =	vst.msk $0xffff, v7;
	s18 =	sadd.s32 s24, s17  }
0x82: {  	v7 =	vld [tilespmem:s23+$0x40];
	[tilespmem:s18+$0x1980 ss:$0x11] =	vst.msk $0xffff, v1  }
0x83: {  	[tilespmem:s18+$0x0 ss:$0x11] =	vst.msk $0xffff, v2;
	v1 =	vld [tilespmem:s23+$0x50]  }
0x84: {  	[tilespmem:s18+$0x110 ss:$0x11] =	vst.msk $0xffff, v4;
	v2 =	vld [tilespmem:s23+$0x60]  }
0x85: {  	[tilespmem:s18+$0x220 ss:$0x11] =	vst.msk $0xffff, v5;
	v4 =	vld [tilespmem:s23+$0x70]  }
0x86: {  	[tilespmem:s18+$0x330 ss:$0x11] =	vst.msk $0xffff, v8;
	v5 =	vld [tilespmem:s23+$0x400]  }
0x87: {  	[tilespmem:s18+$0x440 ss:$0x11] =	vst.msk $0xffff, v7;
	v7 =	vld [tilespmem:s23+$0x800]  }
0x88: {  	[tilespmem:s18+$0x550 ss:$0x11] =	vst.msk $0xffff, v1;
	v1 =	vld.idx.msk [tilespmem:v0+s16+$0x440 ss:$0x1], $0xffff  }
0x89: {  	[tilespmem:s18+$0x660 ss:$0x11] =	vst.msk $0xffff, v2;
	v2 =	vld.idx.msk [tilespmem:v0+s16+$0x450 ss:$0x1], $0xffff  }
0x8a: {  	[tilespmem:s18+$0x770 ss:$0x11] =	vst.msk $0xffff, v4;
	v4 =	vld.idx.msk [tilespmem:v0+s16+$0x460 ss:$0x1], $0xffff  }
0x8b: {  	[tilespmem:s18+$0x880 ss:$0x11] =	vst.msk $0xffff, v5;
	v5 =	vld.idx.msk [tilespmem:v0+s16+$0x470 ss:$0x1], $0xffff  }
0x8c: {  	[tilespmem:s18+$0x1100 ss:$0x11] =	vst.msk $0xffff, v7;
	v8 =	vld.idx.msk [tilespmem:v0+s16+$0x810 ss:$0x1], $0xffff  }
0x8d: {  	[tilespmem:s18+$0x990 ss:$0x11] =	vst.msk $0xffff, v9;
	v9 =	vld.idx.msk [tilespmem:v0+s16+$0x820 ss:$0x1], $0xffff  }
0x8e: {  	[tilespmem:s18+$0xAA0 ss:$0x11] =	vst.msk $0xffff, v6;
	v10 =	vld.idx.msk [tilespmem:v0+s16+$0x830 ss:$0x1], $0xffff  }
0x8f: {  	[tilespmem:s18+$0xBB0 ss:$0x11] =	vst.msk $0xffff, v3;
	v11 =	vld.idx.msk [tilespmem:v0+s16+$0x840 ss:$0x1], $0xffff  }
0x90: {  	[tilespmem:s18+$0xCC0 ss:$0x11] =	vst.msk $0xffff, v1;
	v12 =	vld.idx.msk [tilespmem:v0+s16+$0x850 ss:$0x1], $0xffff  }
0x91: {  	[tilespmem:s18+$0xDD0 ss:$0x11] =	vst.msk $0xffff, v2;
	v7 =	vld.idx.msk [tilespmem:v0+s16+$0x860 ss:$0x1], $0xffff  }
0x92: {  	[tilespmem:s18+$0xEE0 ss:$0x11] =	vst.msk $0xffff, v4;
	v6 =	vld.idx.msk [tilespmem:v0+s16+$0x870 ss:$0x1], $0xffff  }
0x93: {  	[tilespmem:s18+$0xFF0 ss:$0x11] =	vst.msk $0xffff, v5;
	v3 =	vld.idx.msk [tilespmem:v0+s16+$0xC10 ss:$0x1], $0xffff  }
.Ltmp3:
0x94: {  	[tilespmem:s18+$0x1210 ss:$0x11] =	vst.msk $0xffff, v8;
	v1 =	vld.idx.msk [tilespmem:v0+s16+$0xC20 ss:$0x1], $0xffff;
	(pc) =	sbr.rel @p1 .LBB1_3-.Ltmp3, $4  }
0x95: {  	[tilespmem:s18+$0x1320 ss:$0x11] =	vst.msk $0xffff, v9;
	v2 =	vld.idx.msk [tilespmem:v0+s16+$0xC30 ss:$0x1], $0xffff  }
0x96: {  	[tilespmem:s18+$0x1430 ss:$0x11] =	vst.msk $0xffff, v10;
	v4 =	vld.idx.msk [tilespmem:v0+s16+$0xC40 ss:$0x1], $0xffff  }
0x97: {  	s20 =	sadd.s32 $0x80, s20;
	s21 =	sadd.s32 $0x200, s21;
	[tilespmem:s18+$0x1540 ss:$0x11] =	vst.msk $0xffff, v11;
	v5 =	vld.idx.msk [tilespmem:v0+s16+$0xC50 ss:$0x1], $0xffff  }
0x98: {  	s22 =	sadd.s32 $0x4, s22;
	s24 =	sand.u32 $0x380, s20;
	s23 =	sand.u32 $0x1000, s21;
	[tilespmem:s18+$0x1650 ss:$0x11] =	vst.msk $0xffff, v12;
	v8 =	vld.idx.msk [tilespmem:v0+s16+$0xC60 ss:$0x1], $0xffff  }
.Ltmp4:
0x99: {  	_ = 	snop;
	(pc) =	sbr.rel .LBB1_4-.Ltmp4, $1  }
0x9a: {  	_ =	sdelay $0x3  }
.LBB1_6:
0x9b: {  	_ =	sfence.sel $0x180000  }
0x9c: {  	s2 =	simm.s32 $0x1;
	[bflag:$0x0] =	sbarrier.arrive $0xFFFF  }
0x9d: {  	s31 =	simm.s32 $0x2;
	[sflag:s2] =	ssyncpa.u1 $0x1  }
0x9e: {  	[sflag:s31] =	ssyncpa.u1 $0x1  }
0x9f: {  	p0 =	sne.s32 s0, $0x0;
	_ =	strace $0x90000047  }
0xa0: {  	s0 =	sadd.s32 @!p0 $0x100000, s1;
	[bflag:$0x2] =	sbarrier.arrive $0xFFFF  }
0xa1: {  	[sflag:s0] =	ssyncadd.tile.s32 @!p0 $0x1;
	_ =	shalt  }
.Lfunc_end1:
_tile_overlayer_lowered:
.L_overlay_start_2:
0xa2: {  	(tag) =	ssettag $0x2  }
0xa3: {  	s0 =	rddreg [dreg:$0x0];
	s2 =	stileid.u32  }
0xa4: {  	s1 =	rddreg [dreg:$0x1];
	p0 =	sne.s32 s2, $0x0  }
0xa5: {  	s3 =	rddreg [dreg:$0x2];
	[bflag:$0x3] =	sbarrier.arrive $0xFFFF;
	s2 =	simm.s32 @!p0 $0x1C01  }
0xa6: {  	[timem:s3], [sflag:s2] =	dma.local @!p0 [hbm:s0], s1  }
0xa7: {  	s0 =	simm.s32 @!p0 $0x1  }
0xa8: {  	_ =	swait.ge @!p0 [sflag:s0], s1  }
0xa9: {  	s1 =	ssub.s32 @!p0 $0x0, s1;
	[sflag:s0] =	ssyncset.done @!p0 $0x0  }
0xaa: {  	[sflag:s0] =	ssyncadd.s32 @!p0 s1  }
0xab: {  	[bflag:$0x3] =	sbarrier.arrive $0xFFFF  }
0xac: {  	_ =	shalt  }

// kernel: sparse-core-data-format-call.cloned.1.call-start
scs
called_computation_lowered:
.L_overlay_start_0:
0x0: {  	s2 =	sld [smem:$0x3FD9]  }
0x1: {  	s3 =	sld [smem:$0x3FFE];
	_ =	sdelay $0x1  }
0x2: {  	s1 =	srdreg.scid  }
0x3: {  	s0 =	sand.u32 $0x1, s1  }
0x4: {  	s18 =	sshll.u32 s0, $0xA;
	s2 =	sadd.s32 s3, s2  }
0x5: {  	s2 =	sadd.s32 s2, s18  }
0x6: {  	[smem:$0x3FC6] =	sst s2  }
0x7: {  	_ = 	snop  }
0x8: {  	(tm) =	ssettm $0x1  }
0x9: {  	s19 =	sld [smem:$0x3FFB];
	_ =	sdelay $0x3  }
0xa: {  	_ =	strace s19  }
0xb: {  	s2 =	sld [smem:$0x3FFC];
	_ =	sdelay $0x3  }
0xc: {  	_ =	strace s2  }
0xd: {  	s2 =	sld [smem:$0x3FFD];
	_ =	sdelay $0x3  }
0xe: {  	_ =	strace s2  }
0xf: {  	_ =	strace $0x8FFFFFFF  }
0x10: {  	s20 =	sld [smem:$0x3FDB];
	_ =	sdelay $0x1  }
0x11: {  	s21 =	simm.s32 $_scs_section_size  }
0x12: {  	s4 =	simm.s32 $_size__tile_overlayer_lowered;
	s5 =	simm.s32 $_tile_overlayer_lowered  }
0x13: {  	s6 =	simm.s32 $0x1BFF;
	s22 =	sshll.u32 s5, $0x1;
	s3 =	sadd.s32 s21, s20  }
0x14: {  	s23 =	simm.s32 $0x0;
	s4 =	sshll.u32 s4, $0x1;
	s5 =	sadd.s32 s22, s3  }
0x15: {  	[timem:s23], [sflag:s6] =	dma.local [hbm:s5], s4  }
0x16: {  	_ =	swait.ge [sflag:s6], s4  }
0x17: {  	s4 =	ssub.s32 $0x0, s4;
	[sflag:s6] =	ssyncset.done $0x0  }
0x18: {  	[sflag:s6] =	ssyncadd.s32 s4;
	_ =	sdelay $0x1  }
0x19: {  	s24 =	simm.s32 $0x1B8B  }
0x1a: {  	_ =	swait.ge [sflag:s24], $0x1  }
0x1b: {  	[sflag:s24] =	ssyncset.done $0x0  }
0x1c: {  	[sflag:s24] =	ssyncadd.s32 $0xFFFFFFFF  }
0x1d: {  	s4 =	sld [smem:$0x0]  }
0x1e: {  	s5 =	sand.u32 $0xFFFFFFFE, s1  }
0x1f: {  	p0 =	sne.s32 s1, s5  }
0x20: {  	s5 =	sshll.u32 @p0 s5, $0xE  }
0x21: {  	s5 =	sadd.s32 @p0 $0x11B8D, s5;
	s6 =	sshll.u32 @p0 s4, $0x11  }
0x22: {  	s5 =	sor.u32 @p0 s6, s5  }
0x23: {  	[sflag:s5] =	ssyncadd.remote.s32 @p0 $0x1;
	_ =	sdelay $0x1  }
0x24: {  	s5 =	simm.s32 @p0 $0x1B8D  }
0x25: {  	_ =	swait.eq @p0 [sflag:s5], $0x1  }
0x26: {  	[sflag:s5] =	ssyncadd.s32 @p0 $0xFFFFFFFF  }
0x27: {  	s6 =	sshll.u32 @!p0 s1, $0xE  }
0x28: {  	s6 =	sor.u32 @!p0 $0x4000, s6;
	s5 =	simm.s32 @!p0 $0x1B8D  }
0x29: {  	s4 =	sshll.u32 @!p0 s4, $0x11;
	s6 =	sadd.s32 @!p0 $0x11B8D, s6;
	_ =	swait.eq @!p0 [sflag:s5], $0x1  }
0x2a: {  	s4 =	sor.u32 @!p0 s4, s6;
	[sflag:s5] =	ssyncadd.s32 @!p0 $0xFFFFFFFF  }
0x2b: {  	s26 =	simm.s32 $0x1B8E;
	s25 =	sld [smem:$0x3FFE];
	[sflag:s4] =	ssyncadd.remote.s32 @!p0 $0x1  }
0x2c: {  	s27 =	simm.s32 $execute0_lowered;
	[smem:$0x3FD2] =	sst s26  }
0x2d: {  	s5 =	sshll.u32 s27, $0x1;
	_ =	strace $0x80000049;
	[dreg:$0x1] =	wrdreg $0xFFFFFFFF  }
0x2e: {  	s28 =	simm.s32 $_size_execute0_lowered;
	s3 =	sadd.s32 s3, s5;
	[dreg:$0x0] =	wrdreg $0x0  }
0x2f: {  	s5 =	sshll.u32 s28, $0x1;
	[dreg:$0x2] =	wrdreg s3  }
0x30: {  	[dreg:$0x3] =	wrdreg s5  }
0x31: {  	[dreg:$0x4] =	wrdreg $0xC0  }
0x32: {  	_ =	task [dreg:s23], $0x5FFFF  }
0x33: {  	[dreg:$0x1] =	wrdreg $0xFFFFFFFF  }
0x34: {  	[dreg:$0x0] =	wrdreg $0x60  }
0x35: {  	[dreg:$0x2] =	wrdreg s25  }
0x36: {  	[dreg:$0x3] =	wrdreg $0x9  }
0x37: {  	_ =	task.clear_ibuf [dreg:s23], $0x4FFFF;
	_ =	strace $0x90000049  }
0x38: {  	s29 =	simm.s32 $0x9;
	_ =	strace $0x8000004B  }
0x39: {  	_ =	swait.ge [sflag:s29], $0x1  }
0x3a: {  	[sflag:s29] =	ssyncadd.s32 $0xFFFFFFFF  }
0x3b: {  	_ =	strace $0x9000004B  }
0x3c: {  	_ =	sfence  }
0x3d: {  	s30 =	sld [smem:$0x0];
	_ =	sdelay $0x2  }
0x3e: {  	s31 =	sshll.u32 s1, $0xD;
	s1 =	sshrl.u32 s1, $0x2  }
0x3f: {  	s4 =	sand.u32 $0x4000, s31;
	s1 =	sadd.s32 s1, s30  }
0x40: {  	s0 =	sor.u32 s4, s0;
	s1 =	sshll.u32 s1, $0x11  }
0x41: {  	s0 =	sor.u32 s1, s0  }
0x42: {  	s0 =	sadd.s32 $0x8F2B, s0  }
0x43: {  	[sflag:s0] =	ssyncadd.remote.s32 $0x1  }
0x44: {  	_ =	sfence.sel $0xFFFF  }
0x45: {  	[dreg:$0x0] =	wrdreg $0xFFFFFFFF;
	(pc) =	sbr.abs _section_cstart, $3  }
0x46: {  	[dreg:$0x1] =	wrdreg $0xFFFFFFFF  }
0x47: {  	_ =	task.clear_ibuf [dreg:s23], $0x2FFFF;
	_ =	strace $0x9FFFFFFF  }
0x48: {  	(tm) =	ssettm $0x7FFFFFFF  }
0x49: {  	_ =	shalt  }
tec
execute0_lowered:
.L_overlay_start_1:
0x0: {  	(tag) =	ssettag $0x1  }
0x1: {  	s0 =	srdreg.scid  }
0x2: {  	s6 =	rddreg [dreg:$0x0];
	s7 =	simm.s32 $0x1;
	s1 =	sshll.u32 s0, $0x4  }
0x3: {  	s8 =	simm.s32 $0x2;
	s0 =	stileid.u32;
	s1 =	sand.u32 $0x10, s1  }
0x4: {  	s13 =	simm.s32 $0x0;
	s12 =	simm.s32 $0x0;
	s1 =	sor.u32 s0, s1  }
0x5: {  	s10 =	simm.s32 $0x0;
	s3 =	sadd.s32 $0x112C600, s6;
	s2 =	sshll.u32 s1, $0x7  }
0x6: {  	s11 =	simm.s32 $0x0;
	s6 =	sadd.s32 $0x1314C00, s6;
	s5 =	ssub.s32 $0xF4280, s2  }
.Ltmp0:
0x7: {  	s1 =	rddreg [dreg:$0x1];
	s4 =	sand.u32 $0xF80, s5;
	(pc) =	sbr.rel .LBB1_1-.Ltmp0, $4  }
0x8: {  	_ =	strace $0x8000004A;
	s9 =	smov.u32 s2;
	p0 =	sne.s32 s4, $0x0  }
0x9: {  	s5 =	sshrl.u32 s5, $0xC;
	s4 =	simm.s32 $0x1;
	s7 =	simm.s32 @!p0 $0x0  }
0xa: {  	[sflag:s4] =	ssyncpa.u1 $0x0;
	p0 =	por $0x0, $0x0;
	s5 =	sadd.s32 s7, s5  }
0xb: {  	[sflag:s8] =	ssyncpa.u1 $0x0;
	s8 =	simm.s32 $0x80;
	s7 =	sadd.s32 $0x1, s5  }
.LBB1_4:
0xc: {  	s13 =	sshll.u32 s13, $0x7;
	s19 =	sshll.u32 s12, $0x3  }
0xd: {  	v5 =	vld [tilespmem:s17+$0xFFFFFFD0];
	[tilespmem:s16+$0x440 ss:$0x11] =	vst.msk $0xffff, v4;
	s20 =	sand.u32 $0xFFFFFC00, s13;
	s19 =	sand.u32 $0xFFFFFC00, s19  }
0xe: {  	v58 =	vld [tilespmem:s17+$0xFFFFFFE0];
	[tilespmem:s16+$0x550 ss:$0x11] =	vst.msk $0xffff, v3;
	s13 =	sand.u32 $0x380, s13;
	s19 =	sadd.s32 s19, s20  }
0xf: {  	s18 =	sshra.s32 s18, $0x2;
	v59 =	vld [tilespmem:s17+$0xFFFFFFF0];
	[tilespmem:s16+$0x660 ss:$0x11] =	vst.msk $0xffff, v2;
	s13 =	sor.u32 s13, s19  }
0x10: {  	v60 =	vld [tilespmem:s17+$0x0];
	[tilespmem:s16+$0x0 ss:$0x11] =	vst.msk $0xffff, v0;
	s15 =	sadd.s32 s18, s15;
	s13 =	sshrl.u32 s13, $0x7  }
0x11: {  	v61 =	vld [tilespmem:s17+$0x10];
	[tilespmem:s15+$0x770 ss:$0x11] =	vst.msk $0xffff, v1;
	s28 =	smulhi.u32 $0x218D629, s13  }
0x12: {  	v62 =	vld [tilespmem:s17+$0x20];
	[tilespmem:s15+$0x110 ss:$0x11] =	vst.msk $0xffff, v5  }
0x13: {  	v63 =	vld [tilespmem:s17+$0xFFFFFFC0];
	[tilespmem:s15+$0x220 ss:$0x11] =	vst.msk $0xffff, v58;
	s16 =	sshrl.u32 s28, $0xD  }
0x14: {  	[tilespmem:s15+$0x330 ss:$0x11] =	vst.msk $0xffff, v59;
	s16 =	smul.u32 $0xF4280, s16  }
0x15: {  	s29 =	sshrl.u32 s12, $0x3;
	[tilespmem:s15+$0x440 ss:$0x11] =	vst.msk $0xffff, v60  }
0x16: {  	s31 =	sand.u32 $0x7, s12;
	s30 =	sand.u32 $0xF, s29;
	[tilespmem:s15+$0x550 ss:$0x11] =	vst.msk $0xffff, v61;
	s13 =	ssub.s32 s13, s16  }
0x17: {  	s12 =	sshll.u32 s31, $0x12;
	[tilespmem:s15+$0x660 ss:$0x11] =	vst.msk $0xffff, v62;
	s16 =	sadd.s32 s6, s30;
	s13 =	sshll.u32 s13, $0x4  }
0x18: {  	s12 =	sor.u32 $0x10, s12;
	[tilespmem:s15+$0x0 ss:$0x11] =	vst.msk $0xffff, v63;
	s13 =	sadd.s32 s13, s16  }
0x19: {  	[hbm4b:s13+s12] =	stream.strided.scatter [tilespmem:s14], [sflag:$0x2], $0x800, s8, s12, $0x8;
	[tilespmem:$0x2100] =	vst v63  }
.LBB1_5:
0x1a: {  	s14 =	sadd.s32 $0x1000, s9  }
0x1b: {  	s12 =	sadd.s32 $0x10, s10;
	s16 =	smov.u32 s10;
	p2 =	sgt.s32 s14, $0xF427F  }
0x1c: {  	s16 =	smov.u32 @p2 s12  }
0x1d: {  	s14 =	smov.u32 @p2 s2;
	p2 =	sgt.s32 s16, $0x9  }
0x1e: {  	s16 =	simm.s32 @p2 $0x0;
	p2 =	sne.s32 s11, s7  }
.Ltmp1:
0x1f: {  	p1 =	slt.u32 s11, $0x2;
	(pc) =	sbr.rel @!p2 .LBB1_6-.Ltmp1, $4  }
0x20: {  	s15 =	simm.s32 @!p1 $0x2  }
0x21: {  	s13 =	smov.u32 s9;
	p0 =	por !p0, !p0;
	_ =	swait.ge @!p1 [sflag:s15], $0x800  }
0x22: {  	s12 =	smov.u32 s10;
	[sflag:s15] =	ssyncset.done @!p1 $0x0;
	s9 =	smov.u32 s14  }
0x23: {  	s11 =	sadd.s32 $0x1, s11;
	[sflag:s15] =	ssyncadd.s32 @!p1 $0xFFFFF800;
	s10 =	smov.u32 s16  }
.LBB1_1:
0x24: {  	p1 =	sge.u32 s11, s5  }
0x25: {  	s14 =	sshrl.u32 @!p1 s10, $0x3  }
0x26: {  	s15 =	sshll.u32 @!p1 s9, $0x3;
	s14 =	smul.u32 @!p1 $0x7A1400, s14  }
0x27: {  	s16 =	sshll.u32 @!p1 s10, $0x7;
	s15 =	sand.u32 @!p1 $0xFFFFFC00, s15  }
0x28: {  	s14 =	sadd.s32 @!p1 s14, s15;
	s15 =	sand.u32 @!p1 $0x380, s16  }
0x29: {  	s16 =	sand.u32 @!p1 $0x7F, s9;
	s14 =	sor.u32 @!p1 s15, s14  }
0x2a: {  	s15 =	sor.u32 @!p1 s16, s14  }
0x2b: {  	s16 =	smulhi.u32 @!p1 $0x218D6287, s15;
	_ =	sdelay $0x1  }
0x2c: {  	s14 =	smulhi.u32 @!p1 $0x218D6287, s14;
	s16 =	sshrl.u32 @!p1 s16, $0x11  }
0x2d: {  	s16 =	smul.u32 @!p1 $0xF4280, s16  }
0x2e: {  	s31 =	sadd.s32 $0xFFFFFFFF, s11;
	s17 =	sxor.u32 @!p1 $0xFFFFFFFF, s11;
	s14 =	sshrl.u32 @!p1 s14, $0x11  }
0x2f: {  	s17 =	sshll.u32 @!p1 s17, $0xB;
	s14 =	sand.u32 @!p1 $0xF, s14;
	s15 =	ssub.s32 @!p1 s15, s16  }
0x30: {  	s14 =	smul.u32 @!p1 $0x1E850, s14;
	s16 =	sshrl.u32 @!p1 s15, $0x3;
	s15 =	sand.u32 @!p1 $0x7, s15  }
0x31: {  	s17 =	sand.u32 @!p1 $0x800, s17;
	s16 =	sadd.s32 @!p1 s3, s16;
	s15 =	sshll.u32 @!p1 s15, $0x12  }
0x32: {  	s14 =	sadd.s32 @!p1 s14, s16;
	s15 =	sor.u32 @!p1 $0x400, s15;
	s16 =	simm.s32 @!p1 $0x7A1400  }
0x33: {  	[tilespmem:s17], [sflag:$0x1] =	stream.strided.gather @!p1 [hbm4b:s14+s15], $0x800, s16, s15, $0x38;
	[tilespmem:$0x2100] =	vst v63  }
0x34: {  	p1 =	sge.u32 s31, s5  }
.Ltmp2:
0x35: {  	_ = 	snop;
	(pc) =	sbr.rel @p1 .LBB1_5-.Ltmp2, $1  }
0x36: {  	_ =	sdelay $0x3  }
0x37: {  	s14 =	simm.s32 $0x1  }
0x38: {  	_ =	swait.ge [sflag:s4], $0x800;
	s14 =	simm.s32 @!p0 $0x0  }
0x39: {  	[sflag:s4] =	ssyncset.done $0x0;
	s15 =	sshll.u32 s14, $0xB  }
0x3a: {  	[sflag:s4] =	ssyncadd.s32 $0xFFFFF800;
	s17 =	sor.u32 $0x40, s15  }
0x3b: {  	s14 =	smul.u32 $0x2200, s14;
	v0 =	vld [tilespmem:s17+$0x30]  }
0x3c: {  	v1 =	vld [tilespmem:s17+$0xFFFFFFD0]  }
0x3d: {  	s14 =	sshrl.u32 s14, $0x2;
	v5 =	vld [tilespmem:s17+$0xFFFFFFE0]  }
0x3e: {  	v6 =	vld [tilespmem:s17+$0xFFFFFFF0];
	s15 =	sor.u32 $0x1000, s14  }
0x3f: {  	s31 =	sand.u32 $0x1, s11;
	v4 =	vld [tilespmem:s17+$0x0];
	s16 =	sadd.s32 $0x0, s15  }
0x40: {  	v3 =	vld [tilespmem:s17+$0x10];
	s14 =	smul.u32 $0x2200, s31;
	[tilespmem:s16+$0x770 ss:$0x11] =	vst.msk $0xffff, v0  }
0x41: {  	v2 =	vld [tilespmem:s17+$0x20];
	[tilespmem:s16+$0x110 ss:$0x11] =	vst.msk $0xffff, v1  }
0x42: {  	s14 =	sshrl.u32 s14, $0x2;
	v0 =	vld [tilespmem:s17+$0xFFFFFFC0];
	[tilespmem:s16+$0x220 ss:$0x11] =	vst.msk $0xffff, v5;
	s17 =	sadd.s32 $0x80, s17  }
0x43: {  	s18 =	simm.s32 $0x4;
	s19 =	simm.s32 $0x8;
	s14 =	sor.u32 $0x1000, s14;
	[tilespmem:s16+$0x330 ss:$0x11] =	vst.msk $0xffff, v6;
	v1 =	vld [tilespmem:s17+$0x30]  }
.LBB1_3:
0x44: {  	p1 =	sne.s32 s19, $0x3C;
	v5 =	vld [tilespmem:s17+$0xFFFFFFD0];
	[tilespmem:s16+$0x440 ss:$0x11] =	vst.msk $0xffff, v4  }
0x45: {  	v6 =	vld [tilespmem:s17+$0xFFFFFFE0];
	[tilespmem:s16+$0x550 ss:$0x11] =	vst.msk $0xffff, v3  }
0x46: {  	s20 =	sshra.s32 s18, $0x2;
	s18 =	smov.u32 s19;
	v7 =	vld [tilespmem:s17+$0xFFFFFFF0];
	[tilespmem:s16+$0x660 ss:$0x11] =	vst.msk $0xffff, v2  }
.Ltmp3:
0x47: {  	v4 =	vld [tilespmem:s17+$0x0];
	[tilespmem:s16+$0x0 ss:$0x11] =	vst.msk $0xffff, v0;
	s16 =	sadd.s32 s20, s15;
	(pc) =	sbr.rel @p1 .LBB1_3-.Ltmp3, $4  }
0x48: {  	v3 =	vld [tilespmem:s17+$0x10];
	[tilespmem:s16+$0x770 ss:$0x11] =	vst.msk $0xffff, v1  }
0x49: {  	[tilespmem:s16+$0x110 ss:$0x11] =	vst.msk $0xffff, v5;
	v2 =	vld [tilespmem:s17+$0x20]  }
0x4a: {  	v0 =	vld [tilespmem:s17+$0xFFFFFFC0];
	[tilespmem:s16+$0x220 ss:$0x11] =	vst.msk $0xffff, v6;
	s17 =	sadd.s32 $0x80, s17  }
0x4b: {  	s19 =	sadd.s32 $0x4, s19;
	v1 =	vld [tilespmem:s17+$0x30];
	[tilespmem:s16+$0x330 ss:$0x11] =	vst.msk $0xffff, v7  }
.Ltmp4:
0x4c: {  	_ = 	snop;
	(pc) =	sbr.rel .LBB1_4-.Ltmp4, $1  }
0x4d: {  	_ =	sdelay $0x3  }
.LBB1_6:
0x4e: {  	_ =	sfence.sel $0x180000  }
0x4f: {  	s2 =	simm.s32 $0x1;
	[bflag:$0x0] =	sbarrier.arrive $0xFFFF  }
0x50: {  	s31 =	simm.s32 $0x2;
	[sflag:s2] =	ssyncpa.u1 $0x1  }
0x51: {  	[sflag:s31] =	ssyncpa.u1 $0x1  }
0x52: {  	p0 =	sne.s32 s0, $0x0;
	_ =	strace $0x9000004A  }
0x53: {  	s0 =	sadd.s32 @!p0 $0x100000, s1;
	[bflag:$0x2] =	sbarrier.arrive $0xFFFF  }
0x54: {  	[sflag:s0] =	ssyncadd.tile.s32 @!p0 $0x1;
	_ =	shalt  }
.Lfunc_end1:
_tile_overlayer_lowered:
.L_overlay_start_2:
0x55: {  	(tag) =	ssettag $0x2  }
0x56: {  	s0 =	rddreg [dreg:$0x0];
	s2 =	stileid.u32  }
0x57: {  	s1 =	rddreg [dreg:$0x1];
	p0 =	sne.s32 s2, $0x0  }
0x58: {  	s3 =	rddreg [dreg:$0x2];
	[bflag:$0x3] =	sbarrier.arrive $0xFFFF;
	s2 =	simm.s32 @!p0 $0x1C01  }
0x59: {  	[timem:s3], [sflag:s2] =	dma.local @!p0 [hbm:s0], s1  }
0x5a: {  	s0 =	simm.s32 @!p0 $0x1  }
0x5b: {  	_ =	swait.ge @!p0 [sflag:s0], s1  }
0x5c: {  	s1 =	ssub.s32 @!p0 $0x0, s1;
	[sflag:s0] =	ssyncset.done @!p0 $0x0  }
0x5d: {  	[sflag:s0] =	ssyncadd.s32 @!p0 s1  }
0x5e: {  	[bflag:$0x3] =	sbarrier.arrive $0xFFFF  }
0x5f: {  	_ =	shalt  }

</sc_bundles>
